<compile_context>
chip_gen: v7x
topology: tpu7x:2x2x1
jax: 0.10.2.dev20260603
libtpu: 0.0.44.dev20260713+nightly
codegen_flags: <defaults>
</compile_context>

<pallas_src>
import functools
import math

import jax
import jax.numpy as jnp
import numpy as np
from jax import lax
from jax.experimental import pallas as pl
from jax.experimental.pallas import tpu as pltpu
from jax.experimental.pallas import tpu_sc as plsc

_D = 128
_SEQ = 200
_NC, _NS = 2, 16
_NW = _NC * _NS
_GP, _GS = 8, 4
_CHUNK = 256
_NBUF = 3


def _pe_np(d_model: int, seq: int) -> np.ndarray:
    pos = np.arange(seq, dtype=np.float32)[:, None]
    div = np.exp(np.arange(0, d_model, 2, dtype=np.float32)
                 * (-math.log(10000.0) / d_model))
    pe = np.zeros((seq, d_model), dtype=np.float32)
    pe[:, 0::2] = np.sin(pos * div)
    pe[:, 1::2] = np.cos(pos * div)
    return pe


_PE = _pe_np(_D, _SEQ)


def _oidx_np(n_pos_w: int, n_seq_w: int, seq: int) -> np.ndarray:
    g = np.arange(_GP, dtype=np.int32)[:, None, None, None]
    h = np.arange(_GS, dtype=np.int32)[None, :, None, None]
    c = np.arange(n_pos_w, dtype=np.int32)[None, None, :, None]
    r = np.arange(n_seq_w, dtype=np.int32)[None, None, None, :]
    full = (h * n_seq_w + r) * seq + (g * n_pos_w + c)
    return full.reshape(_NW, n_pos_w, _CHUNK // 128, 128)


def kernel(token_ids, table):
    B, L = token_ids.shape
    V, D = table.shape
    N = B * L
    n_pos_w = L // _GP
    n_seq_w = B // _GS
    n_chunks = n_pos_w

    perm_ids = (token_ids.reshape(_GS, n_seq_w, _GP, n_pos_w)
                .transpose(2, 0, 3, 1)
                .reshape(_NW, 2 * n_chunks, 128))
    pe = jnp.asarray(_PE.reshape(_GP, n_pos_w, _D))
    oidx = jnp.asarray(_oidx_np(n_pos_w, n_seq_w, L))

    mesh = plsc.VectorSubcoreMesh(core_axis_name="c", subcore_axis_name="s")

    @functools.partial(
        pl.kernel,
        mesh=mesh,
        out_type=jax.ShapeDtypeStruct((N, D), jnp.float32),
        scratch_types=[
            pltpu.VMEM((2 * n_chunks, 128), jnp.int32),
            pltpu.VMEM((n_chunks, 2, 128), jnp.int32),
            pltpu.VMEM((_CHUNK, _D), jnp.float32),
            pltpu.VMEM((_CHUNK, _D), jnp.float32),
            pltpu.VMEM((_CHUNK, _D), jnp.float32),
            pltpu.VMEM((n_pos_w, _D), jnp.float32),
            pltpu.SemaphoreType.DMA,
            pltpu.SemaphoreType.DMA,
            pltpu.SemaphoreType.DMA,
            pltpu.SemaphoreType.DMA,
            pltpu.SemaphoreType.DMA,
            pltpu.SemaphoreType.DMA,
        ],
    )
    def _emb(pidx_hbm, oidx_hbm, pe_hbm, table_hbm, out_hbm,
             pidx_v, oidx_v, r0, r1, r2, pe_v,
             g0, g1, g2, o0, o1, o2):
        wid = lax.axis_index("s") * _NC + lax.axis_index("c")
        pltpu.sync_copy(pidx_hbm.at[wid], pidx_v)
        pltpu.sync_copy(oidx_hbm.at[wid], oidx_v)
        pltpu.sync_copy(pe_hbm.at[wid // _GS], pe_v)

        rows = (r0, r1, r2)
        gsem = (g0, g1, g2)
        osem = (o0, o1, o2)

        def g_descs(c, b):
            return [pltpu.make_async_copy(
                        table_hbm.at[pidx_v.at[2 * c + s]],
                        rows[b].at[pl.ds(s * 128, 128)], gsem[b])
                    for s in range(2)]

        def o_descs(c, b):
            return [pltpu.make_async_copy(
                        rows[b].at[pl.ds(s * 128, 128)],
                        out_hbm.at[oidx_v.at[c, s]], osem[b])
                    for s in range(2)]

        def start(descs):
            for d in descs:
                d.start()

        def drain(descs):
            for d in descs:
                d.wait()

        for b in range(_NBUF):
            start(g_descs(b, b))

        def body(c, b, tail=False):
            drain(g_descs(c, b))

            pe_regs = [pe_v[c, pl.ds(k * 16, 16)] for k in range(8)]

            def _rows(r, _pe=pe_regs, _buf=rows[b]):
                for k in range(8):
                    sl = pl.ds(k * 16, 16)
                    _buf[r, sl] = _buf[r, sl] + _pe[k]

            plsc.parallel_loop(0, _CHUNK, unroll=4)(_rows)

            start(o_descs(c, b))

            if not tail:
                @pl.when(jnp.logical_and(c >= 1, c + 2 < n_chunks))
                def _():
                    drain(o_descs(c - 1, (b + 2) % _NBUF))
                    start(g_descs(c + 2, (b + 2) % _NBUF))

        def outer(i, carry):
            for b in range(_NBUF):
                body(i * _NBUF + b, b)
            return carry

        lax.fori_loop(0, (n_chunks - 1) // _NBUF, outer, 0)
        body(n_chunks - 1, (n_chunks - 1) % _NBUF, tail=True)
        for c in range(n_chunks - 3, n_chunks):
            drain(o_descs(c, c % _NBUF))

    out = _emb(perm_ids, oidx, pe, table)
    return out.reshape(B, L, D)

# --- scband reference (transcript-rebuilt; emitter-appended) ---
"""Pipeline reference for scband-text-embedding-75926431859031 (READ-ONLY COPY).

The authoritative reference and input builder live on the scoring server;
editing this copy changes nothing except your own understanding.
"""

import math
import jax, jax.numpy as jnp
import numpy as np

VOCAB = 1000000
D_MODEL = 128
MAX_LEN = 512
B = 1024
L = 200


def _make_pe(d_model, max_len):
    position = jnp.arange(0, max_len, dtype=jnp.float32)[:, None]
    div_term = jnp.exp(jnp.arange(0, d_model, 2, dtype=jnp.float32) * (-math.log(10000.0) / d_model))
    pe = jnp.zeros((max_len, d_model), dtype=jnp.float32)
    pe = pe.at[:, 0::2].set(jnp.sin(position * div_term))
    pe = pe.at[:, 1::2].set(jnp.cos(position * div_term))
    return pe[None, :, :]  # (1, max_len, d_model)


def setup_inputs(seed: int = 0) -> dict:
    key = jax.random.key(seed)
    k_idx, k_tab = jax.random.split(key)
    token_ids = jax.random.randint(k_idx, (B, L), 0, VOCAB, dtype=jnp.int32)
    table = jax.random.normal(k_tab, (VOCAB, D_MODEL), dtype=jnp.float32)
    # padding_idx=0 row is kept as zeros, matching nn.Embedding(padding_idx=0)
    table = table.at[0].set(0.0)
    return {"token_ids": token_ids, "table": table}


def reference(token_ids, table):
    # token embedding lookup (gather)
    x = jnp.take(table, token_ids, axis=0)  # (B, L, D)
    # sinusoidal positional encoding (non-trainable buffer)
    pe = _make_pe(D_MODEL, MAX_LEN)
    x = x + pe[:, : x.shape[1], :]
    # dropout in eval mode is identity
    return x

if __name__ == "__main__":
    import jax
    _d = setup_inputs()
    print(jax.jit(kernel)(*tuple(_d.values())))

</pallas_src>

<mosaic_0001>
#map = affine_map<(d0, d1) -> (0, 0, 0)>
#map1 = affine_map<(d0, d1) -> (0, 0, 0, 0)>
#map2 = affine_map<(d0, d1) -> (0, 0)>
module attributes {stable_mosaic.version = 14 : i64} {
  func.func @_emb(%arg0: i32, %arg1: i32, %arg2: memref<32x50x128xi32, #tpu.memory_space<hbm>>, %arg3: memref<32x25x2x128xi32, #tpu.memory_space<hbm>>, %arg4: memref<8x25x128xf32, #tpu.memory_space<hbm>>, %arg5: memref<1000000x128xf32, #tpu.memory_space<hbm>>, %arg6: memref<204800x128xf32, #tpu.memory_space<hbm>>, %arg7: memref<50x128xi32, #tpu.memory_space<vmem>>, %arg8: memref<25x2x128xi32, #tpu.memory_space<vmem>>, %arg9: memref<256x128xf32, #tpu.memory_space<vmem>>, %arg10: memref<256x128xf32, #tpu.memory_space<vmem>>, %arg11: memref<256x128xf32, #tpu.memory_space<vmem>>, %arg12: memref<25x128xf32, #tpu.memory_space<vmem>>, %arg13: memref<!tpu.dma_semaphore, #tpu.memory_space<semaphore_mem>>, %arg14: memref<!tpu.dma_semaphore, #tpu.memory_space<semaphore_mem>>, %arg15: memref<!tpu.dma_semaphore, #tpu.memory_space<semaphore_mem>>, %arg16: memref<!tpu.dma_semaphore, #tpu.memory_space<semaphore_mem>>, %arg17: memref<!tpu.dma_semaphore, #tpu.memory_space<semaphore_mem>>, %arg18: memref<!tpu.dma_semaphore, #tpu.memory_space<semaphore_mem>>) attributes {dimension_semantics = [#tpu.dimension_semantics<core_parallel>, #tpu.dimension_semantics<subcore_parallel>], iteration_bounds = array<i64: 2, 16>, scalar_prefetch = 0 : i64, scratch_operands = 12 : i64, tpu.core_type = #tpu.core_type<sc_vector_subcore>, window_params = [{transform_indices = #map}, {transform_indices = #map1}, {transform_indices = #map}, {transform_indices = #map2}, {transform_indices = #map2}]} {
    %mul3A = arith.constant 2 : i32
    %mul3A_0 = arith.muli %arg1, %mul3A : i32
    %add3A = arith.addi %mul3A_0, %arg0 : i32
    "tpu.region"() ({
      %run_scoped3A = tpu.sem_alloc : memref<!tpu.dma_semaphore, #tpu.memory_space<semaphore_mem>>
      %dma_start3A_229 = arith.constant 0 : i32
      %dma_start3A_230 = arith.constant 0 : i32
      %dma_start3A_231 = tpu.memref_slice %arg2[%add3A, %dma_start3A_229, %dma_start3A_230] : memref<32x50x128xi32, #tpu.memory_space<hbm>> -> memref<1x50x128xi32, #tpu.memory_space<hbm>>
      %dma_start3A_232 = tpu.memref_squeeze %dma_start3A_231 : memref<1x50x128xi32, #tpu.memory_space<hbm>> -> memref<50x128xi32, #tpu.memory_space<hbm>>
      %dma_start3A_233 = arith.constant 0 : i32
      %dma_start3A_234 = arith.constant 0 : i32
      %dma_start3A_235 = tpu.memref_slice %arg2[%add3A, %dma_start3A_233, %dma_start3A_234] : memref<32x50x128xi32, #tpu.memory_space<hbm>> -> memref<1x50x128xi32, #tpu.memory_space<hbm>>
      %dma_start3A_236 = tpu.memref_squeeze %dma_start3A_235 : memref<1x50x128xi32, #tpu.memory_space<hbm>> -> memref<50x128xi32, #tpu.memory_space<hbm>>
      tpu.enqueue_dma source(%dma_start3A_236 : memref<50x128xi32, #tpu.memory_space<hbm>>) target(%arg7 : memref<50x128xi32, #tpu.memory_space<vmem>>) target_semaphore(%run_scoped3A : memref<!tpu.dma_semaphore, #tpu.memory_space<semaphore_mem>>)
      %dma_wait3A_237 = arith.constant 0 : i32
      %dma_wait3A_238 = arith.constant 0 : i32
      %dma_wait3A_239 = tpu.memref_slice %arg2[%add3A, %dma_wait3A_237, %dma_wait3A_238] : memref<32x50x128xi32, #tpu.memory_space<hbm>> -> memref<1x50x128xi32, #tpu.memory_space<hbm>>
      %dma_wait3A_240 = tpu.memref_squeeze %dma_wait3A_239 : memref<1x50x128xi32, #tpu.memory_space<hbm>> -> memref<50x128xi32, #tpu.memory_space<hbm>>
      %dma_wait3A_241 = arith.constant 0 : i32
      %dma_wait3A_242 = arith.constant 0 : i32
      %dma_wait3A_243 = tpu.memref_slice %arg2[%add3A, %dma_wait3A_241, %dma_wait3A_242] : memref<32x50x128xi32, #tpu.memory_space<hbm>> -> memref<1x50x128xi32, #tpu.memory_space<hbm>>
      %dma_wait3A_244 = tpu.memref_squeeze %dma_wait3A_243 : memref<1x50x128xi32, #tpu.memory_space<hbm>> -> memref<50x128xi32, #tpu.memory_space<hbm>>
      tpu.wait_dma2 semaphore(%run_scoped3A : memref<!tpu.dma_semaphore, #tpu.memory_space<semaphore_mem>>) src(%dma_wait3A_244 : memref<50x128xi32, #tpu.memory_space<hbm>>) dst(%arg7 : memref<50x128xi32, #tpu.memory_space<vmem>>)
      tpu.yield
    }) : () -> ()
    "tpu.region"() ({
      %run_scoped3A = tpu.sem_alloc : memref<!tpu.dma_semaphore, #tpu.memory_space<semaphore_mem>>
      %dma_start3A_229 = arith.constant 0 : i32
      %dma_start3A_230 = arith.constant 0 : i32
      %dma_start3A_231 = arith.constant 0 : i32
      %dma_start3A_232 = tpu.memref_slice %arg3[%add3A, %dma_start3A_229, %dma_start3A_230, %dma_start3A_231] : memref<32x25x2x128xi32, #tpu.memory_space<hbm>> -> memref<1x25x2x128xi32, #tpu.memory_space<hbm>>
      %dma_start3A_233 = tpu.memref_squeeze %dma_start3A_232 : memref<1x25x2x128xi32, #tpu.memory_space<hbm>> -> memref<25x2x128xi32, #tpu.memory_space<hbm>>
      %dma_start3A_234 = arith.constant 0 : i32
      %dma_start3A_235 = arith.constant 0 : i32
      %dma_start3A_236 = arith.constant 0 : i32
      %dma_start3A_237 = tpu.memref_slice %arg3[%add3A, %dma_start3A_234, %dma_start3A_235, %dma_start3A_236] : memref<32x25x2x128xi32, #tpu.memory_space<hbm>> -> memref<1x25x2x128xi32, #tpu.memory_space<hbm>>
      %dma_start3A_238 = tpu.memref_squeeze %dma_start3A_237 : memref<1x25x2x128xi32, #tpu.memory_space<hbm>> -> memref<25x2x128xi32, #tpu.memory_space<hbm>>
      tpu.enqueue_dma source(%dma_start3A_238 : memref<25x2x128xi32, #tpu.memory_space<hbm>>) target(%arg8 : memref<25x2x128xi32, #tpu.memory_space<vmem>>) target_semaphore(%run_scoped3A : memref<!tpu.dma_semaphore, #tpu.memory_space<semaphore_mem>>)
      %dma_wait3A_239 = arith.constant 0 : i32
      %dma_wait3A_240 = arith.constant 0 : i32
      %dma_wait3A_241 = arith.constant 0 : i32
      %dma_wait3A_242 = tpu.memref_slice %arg3[%add3A, %dma_wait3A_239, %dma_wait3A_240, %dma_wait3A_241] : memref<32x25x2x128xi32, #tpu.memory_space<hbm>> -> memref<1x25x2x128xi32, #tpu.memory_space<hbm>>
      %dma_wait3A_243 = tpu.memref_squeeze %dma_wait3A_242 : memref<1x25x2x128xi32, #tpu.memory_space<hbm>> -> memref<25x2x128xi32, #tpu.memory_space<hbm>>
      %dma_wait3A_244 = arith.constant 0 : i32
      %dma_wait3A_245 = arith.constant 0 : i32
      %dma_wait3A_246 = arith.constant 0 : i32
      %dma_wait3A_247 = tpu.memref_slice %arg3[%add3A, %dma_wait3A_244, %dma_wait3A_245, %dma_wait3A_246] : memref<32x25x2x128xi32, #tpu.memory_space<hbm>> -> memref<1x25x2x128xi32, #tpu.memory_space<hbm>>
      %dma_wait3A_248 = tpu.memref_squeeze %dma_wait3A_247 : memref<1x25x2x128xi32, #tpu.memory_space<hbm>> -> memref<25x2x128xi32, #tpu.memory_space<hbm>>
      tpu.wait_dma2 semaphore(%run_scoped3A : memref<!tpu.dma_semaphore, #tpu.memory_space<semaphore_mem>>) src(%dma_wait3A_248 : memref<25x2x128xi32, #tpu.memory_space<hbm>>) dst(%arg8 : memref<25x2x128xi32, #tpu.memory_space<vmem>>)
      tpu.yield
    }) : () -> ()
    %jit3A = arith.constant 4 : i32
    %div3A = arith.divsi %add3A, %jit3A : i32
    %sign3A = arith.constant 0 : i32
    %sign3A_1 = arith.cmpi sgt, %add3A, %sign3A : i32
    %sign3A_2 = arith.extui %sign3A_1 : i1 to i32
    %sign3A_3 = arith.constant 0 : i32
    %sign3A_4 = arith.cmpi slt, %add3A, %sign3A_3 : i32
    %sign3A_5 = arith.extui %sign3A_4 : i1 to i32
    %sign3A_6 = arith.subi %sign3A_2, %sign3A_5 : i32
    %sign3A_7 = arith.constant 0 : i32
    %sign3A_8 = arith.cmpi sgt, %jit3A, %sign3A_7 : i32
    %sign3A_9 = arith.extui %sign3A_8 : i1 to i32
    %sign3A_10 = arith.constant 0 : i32
    %sign3A_11 = arith.cmpi slt, %jit3A, %sign3A_10 : i32
    %sign3A_12 = arith.extui %sign3A_11 : i1 to i32
    %sign3A_13 = arith.subi %sign3A_9, %sign3A_12 : i32
    %ne3A = arith.cmpi ne, %sign3A_6, %sign3A_13 : i32
    %rem3A = arith.remsi %add3A, %jit3A : i32
    %ne3A_14 = arith.constant 0 : i32
    %ne3A_15 = arith.cmpi ne, %rem3A, %ne3A_14 : i32
    %and3A = arith.andi %ne3A, %ne3A_15 : i1
    %sub3A = arith.constant 1 : i32
    %sub3A_16 = arith.subi %div3A, %sub3A : i32
    %select_n3A = arith.select %and3A, %sub3A_16, %div3A : i32
    "tpu.region"() ({
      %run_scoped3A = tpu.sem_alloc : memref<!tpu.dma_semaphore, #tpu.memory_space<semaphore_mem>>
      %dma_start3A_229 = arith.constant 0 : i32
      %dma_start3A_230 = arith.constant 0 : i32
      %dma_start3A_231 = tpu.memref_slice %arg4[%select_n3A, %dma_start3A_229, %dma_start3A_230] : memref<8x25x128xf32, #tpu.memory_space<hbm>> -> memref<1x25x128xf32, #tpu.memory_space<hbm>>
      %dma_start3A_232 = tpu.memref_squeeze %dma_start3A_231 : memref<1x25x128xf32, #tpu.memory_space<hbm>> -> memref<25x128xf32, #tpu.memory_space<hbm>>
      %dma_start3A_233 = arith.constant 0 : i32
      %dma_start3A_234 = arith.constant 0 : i32
      %dma_start3A_235 = tpu.memref_slice %arg4[%select_n3A, %dma_start3A_233, %dma_start3A_234] : memref<8x25x128xf32, #tpu.memory_space<hbm>> -> memref<1x25x128xf32, #tpu.memory_space<hbm>>
      %dma_start3A_236 = tpu.memref_squeeze %dma_start3A_235 : memref<1x25x128xf32, #tpu.memory_space<hbm>> -> memref<25x128xf32, #tpu.memory_space<hbm>>
      tpu.enqueue_dma source(%dma_start3A_236 : memref<25x128xf32, #tpu.memory_space<hbm>>) target(%arg12 : memref<25x128xf32, #tpu.memory_space<vmem>>) target_semaphore(%run_scoped3A : memref<!tpu.dma_semaphore, #tpu.memory_space<semaphore_mem>>)
      %dma_wait3A_237 = arith.constant 0 : i32
      %dma_wait3A_238 = arith.constant 0 : i32
      %dma_wait3A_239 = tpu.memref_slice %arg4[%select_n3A, %dma_wait3A_237, %dma_wait3A_238] : memref<8x25x128xf32, #tpu.memory_space<hbm>> -> memref<1x25x128xf32, #tpu.memory_space<hbm>>
      %dma_wait3A_240 = tpu.memref_squeeze %dma_wait3A_239 : memref<1x25x128xf32, #tpu.memory_space<hbm>> -> memref<25x128xf32, #tpu.memory_space<hbm>>
      %dma_wait3A_241 = arith.constant 0 : i32
      %dma_wait3A_242 = arith.constant 0 : i32
      %dma_wait3A_243 = tpu.memref_slice %arg4[%select_n3A, %dma_wait3A_241, %dma_wait3A_242] : memref<8x25x128xf32, #tpu.memory_space<hbm>> -> memref<1x25x128xf32, #tpu.memory_space<hbm>>
      %dma_wait3A_244 = tpu.memref_squeeze %dma_wait3A_243 : memref<1x25x128xf32, #tpu.memory_space<hbm>> -> memref<25x128xf32, #tpu.memory_space<hbm>>
      tpu.wait_dma2 semaphore(%run_scoped3A : memref<!tpu.dma_semaphore, #tpu.memory_space<semaphore_mem>>) src(%dma_wait3A_244 : memref<25x128xf32, #tpu.memory_space<hbm>>) dst(%arg12 : memref<25x128xf32, #tpu.memory_space<vmem>>)
      tpu.yield
    }) : () -> ()
    %dma_start3A = arith.constant 0 : i32
    %dma_start3A_17 = arith.constant 0 : i32
    %dma_start3A_18 = arith.constant 0 : i32
    %dma_start3A_19 = tpu.memref_slice %arg9[%dma_start3A_17, %dma_start3A_18] : memref<256x128xf32, #tpu.memory_space<vmem>> -> memref<128x128xf32, #tpu.memory_space<vmem>>
    %dma_start3A_20 = arith.constant 0 : i32
    %dma_start3A_21 = tpu.memref_slice %arg7[%dma_start3A, %dma_start3A_20] : memref<50x128xi32, #tpu.memory_space<vmem>> -> memref<1x128xi32, #tpu.memory_space<vmem>>
    %dma_start3A_22 = tpu.memref_squeeze %dma_start3A_21 : memref<1x128xi32, #tpu.memory_space<vmem>> -> memref<128xi32, #tpu.memory_space<vmem>>
    %dma_start3A_23 = arith.constant 0 : i32
    %dma_start3A_24 = arith.constant 0 : i32
    %dma_start3A_25 = tpu.memref_slice %arg5[%dma_start3A_23, %dma_start3A_24] : memref<1000000x128xf32, #tpu.memory_space<hbm>> -> memref<1000000x128xf32, #tpu.memory_space<hbm>>
    tpu.enqueue_indirect_dma source(%dma_start3A_25 : memref<1000000x128xf32, #tpu.memory_space<hbm>>) target(%dma_start3A_19 : memref<128x128xf32, #tpu.memory_space<vmem>>) offsets(%dma_start3A_22 : memref<128xi32, #tpu.memory_space<vmem>>) semaphore(%arg13 : memref<!tpu.dma_semaphore, #tpu.memory_space<semaphore_mem>>)
    %dma_start3A_26 = arith.constant 1 : i32
    %dma_start3A_27 = arith.constant 128 : i32
    %dma_start3A_28 = arith.constant 0 : i32
    %dma_start3A_29 = tpu.memref_slice %arg9[%dma_start3A_27, %dma_start3A_28] : memref<256x128xf32, #tpu.memory_space<vmem>> -> memref<128x128xf32, #tpu.memory_space<vmem>>
    %dma_start3A_30 = arith.constant 0 : i32
    %dma_start3A_31 = tpu.memref_slice %arg7[%dma_start3A_26, %dma_start3A_30] : memref<50x128xi32, #tpu.memory_space<vmem>> -> memref<1x128xi32, #tpu.memory_space<vmem>>
    %dma_start3A_32 = tpu.memref_squeeze %dma_start3A_31 : memref<1x128xi32, #tpu.memory_space<vmem>> -> memref<128xi32, #tpu.memory_space<vmem>>
    %dma_start3A_33 = arith.constant 0 : i32
    %dma_start3A_34 = arith.constant 0 : i32
    %dma_start3A_35 = tpu.memref_slice %arg5[%dma_start3A_33, %dma_start3A_34] : memref<1000000x128xf32, #tpu.memory_space<hbm>> -> memref<1000000x128xf32, #tpu.memory_space<hbm>>
    tpu.enqueue_indirect_dma source(%dma_start3A_35 : memref<1000000x128xf32, #tpu.memory_space<hbm>>) target(%dma_start3A_29 : memref<128x128xf32, #tpu.memory_space<vmem>>) offsets(%dma_start3A_32 : memref<128xi32, #tpu.memory_space<vmem>>) semaphore(%arg13 : memref<!tpu.dma_semaphore, #tpu.memory_space<semaphore_mem>>)
    %dma_start3A_36 = arith.constant 2 : i32
    %dma_start3A_37 = arith.constant 0 : i32
    %dma_start3A_38 = arith.constant 0 : i32
    %dma_start3A_39 = tpu.memref_slice %arg10[%dma_start3A_37, %dma_start3A_38] : memref<256x128xf32, #tpu.memory_space<vmem>> -> memref<128x128xf32, #tpu.memory_space<vmem>>
    %dma_start3A_40 = arith.constant 0 : i32
    %dma_start3A_41 = tpu.memref_slice %arg7[%dma_start3A_36, %dma_start3A_40] : memref<50x128xi32, #tpu.memory_space<vmem>> -> memref<1x128xi32, #tpu.memory_space<vmem>>
    %dma_start3A_42 = tpu.memref_squeeze %dma_start3A_41 : memref<1x128xi32, #tpu.memory_space<vmem>> -> memref<128xi32, #tpu.memory_space<vmem>>
    %dma_start3A_43 = arith.constant 0 : i32
    %dma_start3A_44 = arith.constant 0 : i32
    %dma_start3A_45 = tpu.memref_slice %arg5[%dma_start3A_43, %dma_start3A_44] : memref<1000000x128xf32, #tpu.memory_space<hbm>> -> memref<1000000x128xf32, #tpu.memory_space<hbm>>
    tpu.enqueue_indirect_dma source(%dma_start3A_45 : memref<1000000x128xf32, #tpu.memory_space<hbm>>) target(%dma_start3A_39 : memref<128x128xf32, #tpu.memory_space<vmem>>) offsets(%dma_start3A_42 : memref<128xi32, #tpu.memory_space<vmem>>) semaphore(%arg14 : memref<!tpu.dma_semaphore, #tpu.memory_space<semaphore_mem>>)
    %dma_start3A_46 = arith.constant 3 : i32
    %dma_start3A_47 = arith.constant 128 : i32
    %dma_start3A_48 = arith.constant 0 : i32
    %dma_start3A_49 = tpu.memref_slice %arg10[%dma_start3A_47, %dma_start3A_48] : memref<256x128xf32, #tpu.memory_space<vmem>> -> memref<128x128xf32, #tpu.memory_space<vmem>>
    %dma_start3A_50 = arith.constant 0 : i32
    %dma_start3A_51 = tpu.memref_slice %arg7[%dma_start3A_46, %dma_start3A_50] : memref<50x128xi32, #tpu.memory_space<vmem>> -> memref<1x128xi32, #tpu.memory_space<vmem>>
    %dma_start3A_52 = tpu.memref_squeeze %dma_start3A_51 : memref<1x128xi32, #tpu.memory_space<vmem>> -> memref<128xi32, #tpu.memory_space<vmem>>
    %dma_start3A_53 = arith.constant 0 : i32
    %dma_start3A_54 = arith.constant 0 : i32
    %dma_start3A_55 = tpu.memref_slice %arg5[%dma_start3A_53, %dma_start3A_54] : memref<1000000x128xf32, #tpu.memory_space<hbm>> -> memref<1000000x128xf32, #tpu.memory_space<hbm>>
    tpu.enqueue_indirect_dma source(%dma_start3A_55 : memref<1000000x128xf32, #tpu.memory_space<hbm>>) target(%dma_start3A_49 : memref<128x128xf32, #tpu.memory_space<vmem>>) offsets(%dma_start3A_52 : memref<128xi32, #tpu.memory_space<vmem>>) semaphore(%arg14 : memref<!tpu.dma_semaphore, #tpu.memory_space<semaphore_mem>>)
    %dma_start3A_56 = arith.constant 4 : i32
    %dma_start3A_57 = arith.constant 0 : i32
    %dma_start3A_58 = arith.constant 0 : i32
    %dma_start3A_59 = tpu.memref_slice %arg11[%dma_start3A_57, %dma_start3A_58] : memref<256x128xf32, #tpu.memory_space<vmem>> -> memref<128x128xf32, #tpu.memory_space<vmem>>
    %dma_start3A_60 = arith.constant 0 : i32
    %dma_start3A_61 = tpu.memref_slice %arg7[%dma_start3A_56, %dma_start3A_60] : memref<50x128xi32, #tpu.memory_space<vmem>> -> memref<1x128xi32, #tpu.memory_space<vmem>>
    %dma_start3A_62 = tpu.memref_squeeze %dma_start3A_61 : memref<1x128xi32, #tpu.memory_space<vmem>> -> memref<128xi32, #tpu.memory_space<vmem>>
    %dma_start3A_63 = arith.constant 0 : i32
    %dma_start3A_64 = arith.constant 0 : i32
    %dma_start3A_65 = tpu.memref_slice %arg5[%dma_start3A_63, %dma_start3A_64] : memref<1000000x128xf32, #tpu.memory_space<hbm>> -> memref<1000000x128xf32, #tpu.memory_space<hbm>>
    tpu.enqueue_indirect_dma source(%dma_start3A_65 : memref<1000000x128xf32, #tpu.memory_space<hbm>>) target(%dma_start3A_59 : memref<128x128xf32, #tpu.memory_space<vmem>>) offsets(%dma_start3A_62 : memref<128xi32, #tpu.memory_space<vmem>>) semaphore(%arg15 : memref<!tpu.dma_semaphore, #tpu.memory_space<semaphore_mem>>)
    %dma_start3A_66 = arith.constant 5 : i32
    %dma_start3A_67 = arith.constant 128 : i32
    %dma_start3A_68 = arith.constant 0 : i32
    %dma_start3A_69 = tpu.memref_slice %arg11[%dma_start3A_67, %dma_start3A_68] : memref<256x128xf32, #tpu.memory_space<vmem>> -> memref<128x128xf32, #tpu.memory_space<vmem>>
    %dma_start3A_70 = arith.constant 0 : i32
    %dma_start3A_71 = tpu.memref_slice %arg7[%dma_start3A_66, %dma_start3A_70] : memref<50x128xi32, #tpu.memory_space<vmem>> -> memref<1x128xi32, #tpu.memory_space<vmem>>
    %dma_start3A_72 = tpu.memref_squeeze %dma_start3A_71 : memref<1x128xi32, #tpu.memory_space<vmem>> -> memref<128xi32, #tpu.memory_space<vmem>>
    %dma_start3A_73 = arith.constant 0 : i32
    %dma_start3A_74 = arith.constant 0 : i32
    %dma_start3A_75 = tpu.memref_slice %arg5[%dma_start3A_73, %dma_start3A_74] : memref<1000000x128xf32, #tpu.memory_space<hbm>> -> memref<1000000x128xf32, #tpu.memory_space<hbm>>
    tpu.enqueue_indirect_dma source(%dma_start3A_75 : memref<1000000x128xf32, #tpu.memory_space<hbm>>) target(%dma_start3A_69 : memref<128x128xf32, #tpu.memory_space<vmem>>) offsets(%dma_start3A_72 : memref<128xi32, #tpu.memory_space<vmem>>) semaphore(%arg15 : memref<!tpu.dma_semaphore, #tpu.memory_space<semaphore_mem>>)
    %scan3A = arith.constant 0 : i32
    %scan3A_76 = arith.constant 0 : i32
    %scan3A_77 = arith.constant 8 : i32
    %scan3A_78 = arith.addi %scan3A_76, %scan3A_77 : i32
    %scan3A_79 = arith.constant 1 : i32
    scf.for %scan3A_229 = %scan3A_76 to %scan3A_78 step %scan3A_79  : i32 {
      %mul3A_230 = arith.constant 3 : i32
      %mul3A_231 = arith.muli %scan3A_229, %mul3A_230 : i32
      %add3A_232 = arith.constant 0 : i32
      %add3A_233 = arith.addi %mul3A_231, %add3A_232 : i32
      %mul3A_234 = arith.constant 2 : i32
      %mul3A_235 = arith.muli %mul3A_234, %add3A_233 : i32
      %add3A_236 = arith.constant 0 : i32
      %add3A_237 = arith.addi %mul3A_235, %add3A_236 : i32
      %mul3A_238 = arith.constant 2 : i32
      %mul3A_239 = arith.muli %mul3A_238, %add3A_233 : i32
      %add3A_240 = arith.constant 1 : i32
      %add3A_241 = arith.addi %mul3A_239, %add3A_240 : i32
      %dma_wait3A_242 = arith.constant 0 : i32
      %dma_wait3A_243 = arith.constant 0 : i32
      %dma_wait3A_244 = tpu.memref_slice %arg9[%dma_wait3A_242, %dma_wait3A_243] : memref<256x128xf32, #tpu.memory_space<vmem>> -> memref<128x128xf32, #tpu.memory_space<vmem>>
      %dma_wait3A_245 = arith.constant 0 : i32
      %dma_wait3A_246 = tpu.memref_slice %arg7[%add3A_237, %dma_wait3A_245] : memref<50x128xi32, #tpu.memory_space<vmem>> -> memref<1x128xi32, #tpu.memory_space<vmem>>
      %dma_wait3A_247 = tpu.memref_squeeze %dma_wait3A_246 : memref<1x128xi32, #tpu.memory_space<vmem>> -> memref<128xi32, #tpu.memory_space<vmem>>
      %dma_wait3A_248 = arith.constant 0 : i32
      %dma_wait3A_249 = arith.constant 0 : i32
      %dma_wait3A_250 = tpu.memref_slice %arg5[%dma_wait3A_248, %dma_wait3A_249] : memref<1000000x128xf32, #tpu.memory_space<hbm>> -> memref<1000000x128xf32, #tpu.memory_space<hbm>>
      tpu.wait_indirect_dma semaphore(%arg13 : memref<!tpu.dma_semaphore, #tpu.memory_space<semaphore_mem>>) src(%dma_wait3A_250 : memref<1000000x128xf32, #tpu.memory_space<hbm>>) dst(%dma_wait3A_244 : memref<128x128xf32, #tpu.memory_space<vmem>>)
      %dma_wait3A_251 = arith.constant 128 : i32
      %dma_wait3A_252 = arith.constant 0 : i32
      %dma_wait3A_253 = tpu.memref_slice %arg9[%dma_wait3A_251, %dma_wait3A_252] : memref<256x128xf32, #tpu.memory_space<vmem>> -> memref<128x128xf32, #tpu.memory_space<vmem>>
      %dma_wait3A_254 = arith.constant 0 : i32
      %dma_wait3A_255 = tpu.memref_slice %arg7[%add3A_241, %dma_wait3A_254] : memref<50x128xi32, #tpu.memory_space<vmem>> -> memref<1x128xi32, #tpu.memory_space<vmem>>
      %dma_wait3A_256 = tpu.memref_squeeze %dma_wait3A_255 : memref<1x128xi32, #tpu.memory_space<vmem>> -> memref<128xi32, #tpu.memory_space<vmem>>
      %dma_wait3A_257 = arith.constant 0 : i32
      %dma_wait3A_258 = arith.constant 0 : i32
      %dma_wait3A_259 = tpu.memref_slice %arg5[%dma_wait3A_257, %dma_wait3A_258] : memref<1000000x128xf32, #tpu.memory_space<hbm>> -> memref<1000000x128xf32, #tpu.memory_space<hbm>>
      tpu.wait_indirect_dma semaphore(%arg13 : memref<!tpu.dma_semaphore, #tpu.memory_space<semaphore_mem>>) src(%dma_wait3A_259 : memref<1000000x128xf32, #tpu.memory_space<hbm>>) dst(%dma_wait3A_253 : memref<128x128xf32, #tpu.memory_space<vmem>>)
      %get3A_260 = arith.index_cast %add3A_233 : i32 to index
      %get3A_261 = arith.constant 0 : index
      %get3A_262 = tpu.vector_load %arg12[%get3A_260, %get3A_261] {strides = array<i32>} : memref<25x128xf32, #tpu.memory_space<vmem>>, vector<1x16xf32>,
      %get3A_263 = vector.shape_cast %get3A_262 : vector<1x16xf32> to vector<16xf32>
      %get3A_264 = arith.index_cast %add3A_233 : i32 to index
      %get3A_265 = arith.constant 16 : index
      %get3A_266 = tpu.vector_load %arg12[%get3A_264, %get3A_265] {strides = array<i32>} : memref<25x128xf32, #tpu.memory_space<vmem>>, vector<1x16xf32>,
      %get3A_267 = vector.shape_cast %get3A_266 : vector<1x16xf32> to vector<16xf32>
      %get3A_268 = arith.index_cast %add3A_233 : i32 to index
      %get3A_269 = arith.constant 32 : index
      %get3A_270 = tpu.vector_load %arg12[%get3A_268, %get3A_269] {strides = array<i32>} : memref<25x128xf32, #tpu.memory_space<vmem>>, vector<1x16xf32>,
      %get3A_271 = vector.shape_cast %get3A_270 : vector<1x16xf32> to vector<16xf32>
      %get3A_272 = arith.index_cast %add3A_233 : i32 to index
      %get3A_273 = arith.constant 48 : index
      %get3A_274 = tpu.vector_load %arg12[%get3A_272, %get3A_273] {strides = array<i32>} : memref<25x128xf32, #tpu.memory_space<vmem>>, vector<1x16xf32>,
      %get3A_275 = vector.shape_cast %get3A_274 : vector<1x16xf32> to vector<16xf32>
      %get3A_276 = arith.index_cast %add3A_233 : i32 to index
      %get3A_277 = arith.constant 64 : index
      %get3A_278 = tpu.vector_load %arg12[%get3A_276, %get3A_277] {strides = array<i32>} : memref<25x128xf32, #tpu.memory_space<vmem>>, vector<1x16xf32>,
      %get3A_279 = vector.shape_cast %get3A_278 : vector<1x16xf32> to vector<16xf32>
      %get3A_280 = arith.index_cast %add3A_233 : i32 to index
      %get3A_281 = arith.constant 80 : index
      %get3A_282 = tpu.vector_load %arg12[%get3A_280, %get3A_281] {strides = array<i32>} : memref<25x128xf32, #tpu.memory_space<vmem>>, vector<1x16xf32>,
      %get3A_283 = vector.shape_cast %get3A_282 : vector<1x16xf32> to vector<16xf32>
      %get3A_284 = arith.index_cast %add3A_233 : i32 to index
      %get3A_285 = arith.constant 96 : index
      %get3A_286 = tpu.vector_load %arg12[%get3A_284, %get3A_285] {strides = array<i32>} : memref<25x128xf32, #tpu.memory_space<vmem>>, vector<1x16xf32>,
      %get3A_287 = vector.shape_cast %get3A_286 : vector<1x16xf32> to vector<16xf32>
      %get3A_288 = arith.index_cast %add3A_233 : i32 to index
      %get3A_289 = arith.constant 112 : index
      %get3A_290 = tpu.vector_load %arg12[%get3A_288, %get3A_289] {strides = array<i32>} : memref<25x128xf32, #tpu.memory_space<vmem>>, vector<1x16xf32>,
      %get3A_291 = vector.shape_cast %get3A_290 : vector<1x16xf32> to vector<16xf32>
      %parallel_loop3A_292 = arith.constant 0 : i32
      %parallel_loop3A_293 = arith.constant 256 : i32
      %parallel_loop3A_294 = arith.constant 1 : i32
      scf.for %parallel_loop3A_511 = %parallel_loop3A_292 to %parallel_loop3A_293 step %parallel_loop3A_294  : i32 {
        %parallel_loop3A_512 = arith.index_cast %parallel_loop3A_511 : i32 to index
        %parallel_loop3A_513 = arith.constant 0 : index
        %parallel_loop3A_514 = tpu.vector_load %arg9[%parallel_loop3A_512, %parallel_loop3A_513] {strides = array<i32>} : memref<256x128xf32, #tpu.memory_space<vmem>>, vector<1x16xf32>,
        %parallel_loop3A_515 = vector.shape_cast %parallel_loop3A_514 : vector<1x16xf32> to vector<16xf32>
        %parallel_loop3A_516 = arith.addf %parallel_loop3A_515, %get3A_263 : vector<16xf32>
        %parallel_loop3A_517 = arith.index_cast %parallel_loop3A_511 : i32 to index
        %parallel_loop3A_518 = arith.constant 0 : index
        %parallel_loop3A_519 = tpu.vector_load %arg9[%parallel_loop3A_517, %parallel_loop3A_518] {strides = array<i32>} : memref<256x128xf32, #tpu.memory_space<vmem>>, vector<1x16xf32>,
        %parallel_loop3A_520 = vector.shape_cast %parallel_loop3A_519 : vector<1x16xf32> to vector<16xf32>
        %parallel_loop3A_521 = vector.shape_cast %parallel_loop3A_516 : vector<16xf32> to vector<1x16xf32>
        tpu.vector_store %arg9[%parallel_loop3A_517, %parallel_loop3A_518], %parallel_loop3A_521 {strides = array<i32>} : memref<256x128xf32, #tpu.memory_space<vmem>>, vector<1x16xf32>,
        %parallel_loop3A_522 = arith.index_cast %parallel_loop3A_511 : i32 to index
        %parallel_loop3A_523 = arith.constant 16 : index
        %parallel_loop3A_524 = tpu.vector_load %arg9[%parallel_loop3A_522, %parallel_loop3A_523] {strides = array<i32>} : memref<256x128xf32, #tpu.memory_space<vmem>>, vector<1x16xf32>,
        %parallel_loop3A_525 = vector.shape_cast %parallel_loop3A_524 : vector<1x16xf32> to vector<16xf32>
        %parallel_loop3A_526 = arith.addf %parallel_loop3A_525, %get3A_267 : vector<16xf32>
        %parallel_loop3A_527 = arith.index_cast %parallel_loop3A_511 : i32 to index
        %parallel_loop3A_528 = arith.constant 16 : index
        %parallel_loop3A_529 = tpu.vector_load %arg9[%parallel_loop3A_527, %parallel_loop3A_528] {strides = array<i32>} : memref<256x128xf32, #tpu.memory_space<vmem>>, vector<1x16xf32>,
        %parallel_loop3A_530 = vector.shape_cast %parallel_loop3A_529 : vector<1x16xf32> to vector<16xf32>
        %parallel_loop3A_531 = vector.shape_cast %parallel_loop3A_526 : vector<16xf32> to vector<1x16xf32>
        tpu.vector_store %arg9[%parallel_loop3A_527, %parallel_loop3A_528], %parallel_loop3A_531 {strides = array<i32>} : memref<256x128xf32, #tpu.memory_space<vmem>>, vector<1x16xf32>,
        %parallel_loop3A_532 = arith.index_cast %parallel_loop3A_511 : i32 to index
        %parallel_loop3A_533 = arith.constant 32 : index
        %parallel_loop3A_534 = tpu.vector_load %arg9[%parallel_loop3A_532, %parallel_loop3A_533] {strides = array<i32>} : memref<256x128xf32, #tpu.memory_space<vmem>>, vector<1x16xf32>,
        %parallel_loop3A_535 = vector.shape_cast %parallel_loop3A_534 : vector<1x16xf32> to vector<16xf32>
        %parallel_loop3A_536 = arith.addf %parallel_loop3A_535, %get3A_271 : vector<16xf32>
        %parallel_loop3A_537 = arith.index_cast %parallel_loop3A_511 : i32 to index
        %parallel_loop3A_538 = arith.constant 32 : index
        %parallel_loop3A_539 = tpu.vector_load %arg9[%parallel_loop3A_537, %parallel_loop3A_538] {strides = array<i32>} : memref<256x128xf32, #tpu.memory_space<vmem>>, vector<1x16xf32>,
        %parallel_loop3A_540 = vector.shape_cast %parallel_loop3A_539 : vector<1x16xf32> to vector<16xf32>
        %parallel_loop3A_541 = vector.shape_cast %parallel_loop3A_536 : vector<16xf32> to vector<1x16xf32>
        tpu.vector_store %arg9[%parallel_loop3A_537, %parallel_loop3A_538], %parallel_loop3A_541 {strides = array<i32>} : memref<256x128xf32, #tpu.memory_space<vmem>>, vector<1x16xf32>,
        %parallel_loop3A_542 = arith.index_cast %parallel_loop3A_511 : i32 to index
        %parallel_loop3A_543 = arith.constant 48 : index
        %parallel_loop3A_544 = tpu.vector_load %arg9[%parallel_loop3A_542, %parallel_loop3A_543] {strides = array<i32>} : memref<256x128xf32, #tpu.memory_space<vmem>>, vector<1x16xf32>,
        %parallel_loop3A_545 = vector.shape_cast %parallel_loop3A_544 : vector<1x16xf32> to vector<16xf32>
        %parallel_loop3A_546 = arith.addf %parallel_loop3A_545, %get3A_275 : vector<16xf32>
        %parallel_loop3A_547 = arith.index_cast %parallel_loop3A_511 : i32 to index
        %parallel_loop3A_548 = arith.constant 48 : index
        %parallel_loop3A_549 = tpu.vector_load %arg9[%parallel_loop3A_547, %parallel_loop3A_548] {strides = array<i32>} : memref<256x128xf32, #tpu.memory_space<vmem>>, vector<1x16xf32>,
        %parallel_loop3A_550 = vector.shape_cast %parallel_loop3A_549 : vector<1x16xf32> to vector<16xf32>
        %parallel_loop3A_551 = vector.shape_cast %parallel_loop3A_546 : vector<16xf32> to vector<1x16xf32>
        tpu.vector_store %arg9[%parallel_loop3A_547, %parallel_loop3A_548], %parallel_loop3A_551 {strides = array<i32>} : memref<256x128xf32, #tpu.memory_space<vmem>>, vector<1x16xf32>,
        %parallel_loop3A_552 = arith.index_cast %parallel_loop3A_511 : i32 to index
        %parallel_loop3A_553 = arith.constant 64 : index
        %parallel_loop3A_554 = tpu.vector_load %arg9[%parallel_loop3A_552, %parallel_loop3A_553] {strides = array<i32>} : memref<256x128xf32, #tpu.memory_space<vmem>>, vector<1x16xf32>,
        %parallel_loop3A_555 = vector.shape_cast %parallel_loop3A_554 : vector<1x16xf32> to vector<16xf32>
        %parallel_loop3A_556 = arith.addf %parallel_loop3A_555, %get3A_279 : vector<16xf32>
        %parallel_loop3A_557 = arith.index_cast %parallel_loop3A_511 : i32 to index
        %parallel_loop3A_558 = arith.constant 64 : index
        %parallel_loop3A_559 = tpu.vector_load %arg9[%parallel_loop3A_557, %parallel_loop3A_558] {strides = array<i32>} : memref<256x128xf32, #tpu.memory_space<vmem>>, vector<1x16xf32>,
        %parallel_loop3A_560 = vector.shape_cast %parallel_loop3A_559 : vector<1x16xf32> to vector<16xf32>
        %parallel_loop3A_561 = vector.shape_cast %parallel_loop3A_556 : vector<16xf32> to vector<1x16xf32>
        tpu.vector_store %arg9[%parallel_loop3A_557, %parallel_loop3A_558], %parallel_loop3A_561 {strides = array<i32>} : memref<256x128xf32, #tpu.memory_space<vmem>>, vector<1x16xf32>,
        %parallel_loop3A_562 = arith.index_cast %parallel_loop3A_511 : i32 to index
        %parallel_loop3A_563 = arith.constant 80 : index
        %parallel_loop3A_564 = tpu.vector_load %arg9[%parallel_loop3A_562, %parallel_loop3A_563] {strides = array<i32>} : memref<256x128xf32, #tpu.memory_space<vmem>>, vector<1x16xf32>,
        %parallel_loop3A_565 = vector.shape_cast %parallel_loop3A_564 : vector<1x16xf32> to vector<16xf32>
        %parallel_loop3A_566 = arith.addf %parallel_loop3A_565, %get3A_283 : vector<16xf32>
        %parallel_loop3A_567 = arith.index_cast %parallel_loop3A_511 : i32 to index
        %parallel_loop3A_568 = arith.constant 80 : index
        %parallel_loop3A_569 = tpu.vector_load %arg9[%parallel_loop3A_567, %parallel_loop3A_568] {strides = array<i32>} : memref<256x128xf32, #tpu.memory_space<vmem>>, vector<1x16xf32>,
        %parallel_loop3A_570 = vector.shape_cast %parallel_loop3A_569 : vector<1x16xf32> to vector<16xf32>
        %parallel_loop3A_571 = vector.shape_cast %parallel_loop3A_566 : vector<16xf32> to vector<1x16xf32>
        tpu.vector_store %arg9[%parallel_loop3A_567, %parallel_loop3A_568], %parallel_loop3A_571 {strides = array<i32>} : memref<256x128xf32, #tpu.memory_space<vmem>>, vector<1x16xf32>,
        %parallel_loop3A_572 = arith.index_cast %parallel_loop3A_511 : i32 to index
        %parallel_loop3A_573 = arith.constant 96 : index
        %parallel_loop3A_574 = tpu.vector_load %arg9[%parallel_loop3A_572, %parallel_loop3A_573] {strides = array<i32>} : memref<256x128xf32, #tpu.memory_space<vmem>>, vector<1x16xf32>,
        %parallel_loop3A_575 = vector.shape_cast %parallel_loop3A_574 : vector<1x16xf32> to vector<16xf32>
        %parallel_loop3A_576 = arith.addf %parallel_loop3A_575, %get3A_287 : vector<16xf32>
        %parallel_loop3A_577 = arith.index_cast %parallel_loop3A_511 : i32 to index
        %parallel_loop3A_578 = arith.constant 96 : index
        %parallel_loop3A_579 = tpu.vector_load %arg9[%parallel_loop3A_577, %parallel_loop3A_578] {strides = array<i32>} : memref<256x128xf32, #tpu.memory_space<vmem>>, vector<1x16xf32>,
        %parallel_loop3A_580 = vector.shape_cast %parallel_loop3A_579 : vector<1x16xf32> to vector<16xf32>
        %parallel_loop3A_581 = vector.shape_cast %parallel_loop3A_576 : vector<16xf32> to vector<1x16xf32>
        tpu.vector_store %arg9[%parallel_loop3A_577, %parallel_loop3A_578], %parallel_loop3A_581 {strides = array<i32>} : memref<256x128xf32, #tpu.memory_space<vmem>>, vector<1x16xf32>,
        %parallel_loop3A_582 = arith.index_cast %parallel_loop3A_511 : i32 to index
        %parallel_loop3A_583 = arith.constant 112 : index
        %parallel_loop3A_584 = tpu.vector_load %arg9[%parallel_loop3A_582, %parallel_loop3A_583] {strides = array<i32>} : memref<256x128xf32, #tpu.memory_space<vmem>>, vector<1x16xf32>,
        %parallel_loop3A_585 = vector.shape_cast %parallel_loop3A_584 : vector<1x16xf32> to vector<16xf32>
        %parallel_loop3A_586 = arith.addf %parallel_loop3A_585, %get3A_291 : vector<16xf32>
        %parallel_loop3A_587 = arith.index_cast %parallel_loop3A_511 : i32 to index
        %parallel_loop3A_588 = arith.constant 112 : index
        %parallel_loop3A_589 = tpu.vector_load %arg9[%parallel_loop3A_587, %parallel_loop3A_588] {strides = array<i32>} : memref<256x128xf32, #tpu.memory_space<vmem>>, vector<1x16xf32>,
        %parallel_loop3A_590 = vector.shape_cast %parallel_loop3A_589 : vector<1x16xf32> to vector<16xf32>
        %parallel_loop3A_591 = vector.shape_cast %parallel_loop3A_586 : vector<16xf32> to vector<1x16xf32>
        tpu.vector_store %arg9[%parallel_loop3A_587, %parallel_loop3A_588], %parallel_loop3A_591 {strides = array<i32>} : memref<256x128xf32, #tpu.memory_space<vmem>>, vector<1x16xf32>,
      } {sc.loop_unroll_factor = 4 : i64, sc.parallel_access}
      %dma_start3A_295 = arith.constant 0 : i32
      %dma_start3A_296 = arith.constant 0 : i32
      %dma_start3A_297 = arith.constant 0 : i32
      %dma_start3A_298 = tpu.memref_slice %arg9[%dma_start3A_296, %dma_start3A_297] : memref<256x128xf32, #tpu.memory_space<vmem>> -> memref<128x128xf32, #tpu.memory_space<vmem>>
      %dma_start3A_299 = arith.constant 0 : i32
      %dma_start3A_300 = tpu.memref_slice %arg8[%add3A_233, %dma_start3A_295, %dma_start3A_299] : memref<25x2x128xi32, #tpu.memory_space<vmem>> -> memref<1x1x128xi32, #tpu.memory_space<vmem>>
      %dma_start3A_301 = tpu.memref_squeeze %dma_start3A_300 : memref<1x1x128xi32, #tpu.memory_space<vmem>> -> memref<128xi32, #tpu.memory_space<vmem>>
      %dma_start3A_302 = arith.constant 0 : i32
      %dma_start3A_303 = arith.constant 0 : i32
      %dma_start3A_304 = tpu.memref_slice %arg6[%dma_start3A_302, %dma_start3A_303] : memref<204800x128xf32, #tpu.memory_space<hbm>> -> memref<204800x128xf32, #tpu.memory_space<hbm>>
      tpu.enqueue_indirect_dma source(%dma_start3A_298 : memref<128x128xf32, #tpu.memory_space<vmem>>) target(%dma_start3A_304 : memref<204800x128xf32, #tpu.memory_space<hbm>>) offsets(%dma_start3A_301 : memref<128xi32, #tpu.memory_space<vmem>>) semaphore(%arg16 : memref<!tpu.dma_semaphore, #tpu.memory_space<semaphore_mem>>)
      %dma_start3A_305 = arith.constant 1 : i32
      %dma_start3A_306 = arith.constant 128 : i32
      %dma_start3A_307 = arith.constant 0 : i32
      %dma_start3A_308 = tpu.memref_slice %arg9[%dma_start3A_306, %dma_start3A_307] : memref<256x128xf32, #tpu.memory_space<vmem>> -> memref<128x128xf32, #tpu.memory_space<vmem>>
      %dma_start3A_309 = arith.constant 0 : i32
      %dma_start3A_310 = tpu.memref_slice %arg8[%add3A_233, %dma_start3A_305, %dma_start3A_309] : memref<25x2x128xi32, #tpu.memory_space<vmem>> -> memref<1x1x128xi32, #tpu.memory_space<vmem>>
      %dma_start3A_311 = tpu.memref_squeeze %dma_start3A_310 : memref<1x1x128xi32, #tpu.memory_space<vmem>> -> memref<128xi32, #tpu.memory_space<vmem>>
      %dma_start3A_312 = arith.constant 0 : i32
      %dma_start3A_313 = arith.constant 0 : i32
      %dma_start3A_314 = tpu.memref_slice %arg6[%dma_start3A_312, %dma_start3A_313] : memref<204800x128xf32, #tpu.memory_space<hbm>> -> memref<204800x128xf32, #tpu.memory_space<hbm>>
      tpu.enqueue_indirect_dma source(%dma_start3A_308 : memref<128x128xf32, #tpu.memory_space<vmem>>) target(%dma_start3A_314 : memref<204800x128xf32, #tpu.memory_space<hbm>>) offsets(%dma_start3A_311 : memref<128xi32, #tpu.memory_space<vmem>>) semaphore(%arg16 : memref<!tpu.dma_semaphore, #tpu.memory_space<semaphore_mem>>)
      %ge3A = arith.constant 1 : i32
      %ge3A_315 = arith.cmpi sge, %add3A_233, %ge3A : i32
      %add3A_316 = arith.constant 2 : i32
      %add3A_317 = arith.addi %add3A_233, %add3A_316 : i32
      %lt3A = arith.constant 25 : i32
      %lt3A_318 = arith.cmpi slt, %add3A_317, %lt3A : i32
      %and3A_319 = arith.andi %ge3A_315, %lt3A_318 : i1
      %convert_element_type3A = arith.extui %and3A_319 : i1 to i32
      %cond3A = arith.constant 0 : i32
      %cond3A_320 = arith.cmpi ne, %convert_element_type3A, %cond3A : i32
      scf.if %cond3A_320 {
        %sub3A_511 = arith.constant 1 : i32
        %sub3A_512 = arith.subi %add3A_233, %sub3A_511 : i32
        %dma_wait3A_513 = arith.constant 0 : i32
        %dma_wait3A_514 = arith.constant 0 : i32
        %dma_wait3A_515 = arith.constant 0 : i32
        %dma_wait3A_516 = tpu.memref_slice %arg11[%dma_wait3A_514, %dma_wait3A_515] : memref<256x128xf32, #tpu.memory_space<vmem>> -> memref<128x128xf32, #tpu.memory_space<vmem>>
        %dma_wait3A_517 = arith.constant 0 : i32
        %dma_wait3A_518 = tpu.memref_slice %arg8[%sub3A_512, %dma_wait3A_513, %dma_wait3A_517] : memref<25x2x128xi32, #tpu.memory_space<vmem>> -> memref<1x1x128xi32, #tpu.memory_space<vmem>>
        %dma_wait3A_519 = tpu.memref_squeeze %dma_wait3A_518 : memref<1x1x128xi32, #tpu.memory_space<vmem>> -> memref<128xi32, #tpu.memory_space<vmem>>
        %dma_wait3A_520 = arith.constant 0 : i32
        %dma_wait3A_521 = arith.constant 0 : i32
        %dma_wait3A_522 = tpu.memref_slice %arg6[%dma_wait3A_520, %dma_wait3A_521] : memref<204800x128xf32, #tpu.memory_space<hbm>> -> memref<204800x128xf32, #tpu.memory_space<hbm>>
        tpu.wait_indirect_dma semaphore(%arg18 : memref<!tpu.dma_semaphore, #tpu.memory_space<semaphore_mem>>) src(%dma_wait3A_516 : memref<128x128xf32, #tpu.memory_space<vmem>>) dst(%dma_wait3A_522 : memref<204800x128xf32, #tpu.memory_space<hbm>>)
        %dma_wait3A_523 = arith.constant 1 : i32
        %dma_wait3A_524 = arith.constant 128 : i32
        %dma_wait3A_525 = arith.constant 0 : i32
        %dma_wait3A_526 = tpu.memref_slice %arg11[%dma_wait3A_524, %dma_wait3A_525] : memref<256x128xf32, #tpu.memory_space<vmem>> -> memref<128x128xf32, #tpu.memory_space<vmem>>
        %dma_wait3A_527 = arith.constant 0 : i32
        %dma_wait3A_528 = tpu.memref_slice %arg8[%sub3A_512, %dma_wait3A_523, %dma_wait3A_527] : memref<25x2x128xi32, #tpu.memory_space<vmem>> -> memref<1x1x128xi32, #tpu.memory_space<vmem>>
        %dma_wait3A_529 = tpu.memref_squeeze %dma_wait3A_528 : memref<1x1x128xi32, #tpu.memory_space<vmem>> -> memref<128xi32, #tpu.memory_space<vmem>>
        %dma_wait3A_530 = arith.constant 0 : i32
        %dma_wait3A_531 = arith.constant 0 : i32
        %dma_wait3A_532 = tpu.memref_slice %arg6[%dma_wait3A_530, %dma_wait3A_531] : memref<204800x128xf32, #tpu.memory_space<hbm>> -> memref<204800x128xf32, #tpu.memory_space<hbm>>
        tpu.wait_indirect_dma semaphore(%arg18 : memref<!tpu.dma_semaphore, #tpu.memory_space<semaphore_mem>>) src(%dma_wait3A_526 : memref<128x128xf32, #tpu.memory_space<vmem>>) dst(%dma_wait3A_532 : memref<204800x128xf32, #tpu.memory_space<hbm>>)
        %add3A_533 = arith.constant 2 : i32
        %add3A_534 = arith.addi %add3A_233, %add3A_533 : i32
        %mul3A_535 = arith.constant 2 : i32
        %mul3A_536 = arith.muli %mul3A_535, %add3A_534 : i32
        %add3A_537 = arith.constant 0 : i32
        %add3A_538 = arith.addi %mul3A_536, %add3A_537 : i32
        %mul3A_539 = arith.constant 2 : i32
        %mul3A_540 = arith.muli %mul3A_539, %add3A_534 : i32
        %add3A_541 = arith.constant 1 : i32
        %add3A_542 = arith.addi %mul3A_540, %add3A_541 : i32
        %dma_start3A_543 = arith.constant 0 : i32
        %dma_start3A_544 = arith.constant 0 : i32
        %dma_start3A_545 = tpu.memref_slice %arg11[%dma_start3A_543, %dma_start3A_544] : memref<256x128xf32, #tpu.memory_space<vmem>> -> memref<128x128xf32, #tpu.memory_space<vmem>>
        %dma_start3A_546 = arith.constant 0 : i32
        %dma_start3A_547 = tpu.memref_slice %arg7[%add3A_538, %dma_start3A_546] : memref<50x128xi32, #tpu.memory_space<vmem>> -> memref<1x128xi32, #tpu.memory_space<vmem>>
        %dma_start3A_548 = tpu.memref_squeeze %dma_start3A_547 : memref<1x128xi32, #tpu.memory_space<vmem>> -> memref<128xi32, #tpu.memory_space<vmem>>
        %dma_start3A_549 = arith.constant 0 : i32
        %dma_start3A_550 = arith.constant 0 : i32
        %dma_start3A_551 = tpu.memref_slice %arg5[%dma_start3A_549, %dma_start3A_550] : memref<1000000x128xf32, #tpu.memory_space<hbm>> -> memref<1000000x128xf32, #tpu.memory_space<hbm>>
        tpu.enqueue_indirect_dma source(%dma_start3A_551 : memref<1000000x128xf32, #tpu.memory_space<hbm>>) target(%dma_start3A_545 : memref<128x128xf32, #tpu.memory_space<vmem>>) offsets(%dma_start3A_548 : memref<128xi32, #tpu.memory_space<vmem>>) semaphore(%arg15 : memref<!tpu.dma_semaphore, #tpu.memory_space<semaphore_mem>>)
        %dma_start3A_552 = arith.constant 128 : i32
        %dma_start3A_553 = arith.constant 0 : i32
        %dma_start3A_554 = tpu.memref_slice %arg11[%dma_start3A_552, %dma_start3A_553] : memref<256x128xf32, #tpu.memory_space<vmem>> -> memref<128x128xf32, #tpu.memory_space<vmem>>
        %dma_start3A_555 = arith.constant 0 : i32
        %dma_start3A_556 = tpu.memref_slice %arg7[%add3A_542, %dma_start3A_555] : memref<50x128xi32, #tpu.memory_space<vmem>> -> memref<1x128xi32, #tpu.memory_space<vmem>>
        %dma_start3A_557 = tpu.memref_squeeze %dma_start3A_556 : memref<1x128xi32, #tpu.memory_space<vmem>> -> memref<128xi32, #tpu.memory_space<vmem>>
        %dma_start3A_558 = arith.constant 0 : i32
        %dma_start3A_559 = arith.constant 0 : i32
        %dma_start3A_560 = tpu.memref_slice %arg5[%dma_start3A_558, %dma_start3A_559] : memref<1000000x128xf32, #tpu.memory_space<hbm>> -> memref<1000000x128xf32, #tpu.memory_space<hbm>>
        tpu.enqueue_indirect_dma source(%dma_start3A_560 : memref<1000000x128xf32, #tpu.memory_space<hbm>>) target(%dma_start3A_554 : memref<128x128xf32, #tpu.memory_space<vmem>>) offsets(%dma_start3A_557 : memref<128xi32, #tpu.memory_space<vmem>>) semaphore(%arg15 : memref<!tpu.dma_semaphore, #tpu.memory_space<semaphore_mem>>)
      } else {
      }
      %mul3A_321 = arith.constant 3 : i32
      %mul3A_322 = arith.muli %scan3A_229, %mul3A_321 : i32
      %add3A_323 = arith.constant 1 : i32
      %add3A_324 = arith.addi %mul3A_322, %add3A_323 : i32
      %mul3A_325 = arith.constant 2 : i32
      %mul3A_326 = arith.muli %mul3A_325, %add3A_324 : i32
      %add3A_327 = arith.constant 0 : i32
      %add3A_328 = arith.addi %mul3A_326, %add3A_327 : i32
      %mul3A_329 = arith.constant 2 : i32
      %mul3A_330 = arith.muli %mul3A_329, %add3A_324 : i32
      %add3A_331 = arith.constant 1 : i32
      %add3A_332 = arith.addi %mul3A_330, %add3A_331 : i32
      %dma_wait3A_333 = arith.constant 0 : i32
      %dma_wait3A_334 = arith.constant 0 : i32
      %dma_wait3A_335 = tpu.memref_slice %arg10[%dma_wait3A_333, %dma_wait3A_334] : memref<256x128xf32, #tpu.memory_space<vmem>> -> memref<128x128xf32, #tpu.memory_space<vmem>>
      %dma_wait3A_336 = arith.constant 0 : i32
      %dma_wait3A_337 = tpu.memref_slice %arg7[%add3A_328, %dma_wait3A_336] : memref<50x128xi32, #tpu.memory_space<vmem>> -> memref<1x128xi32, #tpu.memory_space<vmem>>
      %dma_wait3A_338 = tpu.memref_squeeze %dma_wait3A_337 : memref<1x128xi32, #tpu.memory_space<vmem>> -> memref<128xi32, #tpu.memory_space<vmem>>
      %dma_wait3A_339 = arith.constant 0 : i32
      %dma_wait3A_340 = arith.constant 0 : i32
      %dma_wait3A_341 = tpu.memref_slice %arg5[%dma_wait3A_339, %dma_wait3A_340] : memref<1000000x128xf32, #tpu.memory_space<hbm>> -> memref<1000000x128xf32, #tpu.memory_space<hbm>>
      tpu.wait_indirect_dma semaphore(%arg14 : memref<!tpu.dma_semaphore, #tpu.memory_space<semaphore_mem>>) src(%dma_wait3A_341 : memref<1000000x128xf32, #tpu.memory_space<hbm>>) dst(%dma_wait3A_335 : memref<128x128xf32, #tpu.memory_space<vmem>>)
      %dma_wait3A_342 = arith.constant 128 : i32
      %dma_wait3A_343 = arith.constant 0 : i32
      %dma_wait3A_344 = tpu.memref_slice %arg10[%dma_wait3A_342, %dma_wait3A_343] : memref<256x128xf32, #tpu.memory_space<vmem>> -> memref<128x128xf32, #tpu.memory_space<vmem>>
      %dma_wait3A_345 = arith.constant 0 : i32
      %dma_wait3A_346 = tpu.memref_slice %arg7[%add3A_332, %dma_wait3A_345] : memref<50x128xi32, #tpu.memory_space<vmem>> -> memref<1x128xi32, #tpu.memory_space<vmem>>
      %dma_wait3A_347 = tpu.memref_squeeze %dma_wait3A_346 : memref<1x128xi32, #tpu.memory_space<vmem>> -> memref<128xi32, #tpu.memory_space<vmem>>
      %dma_wait3A_348 = arith.constant 0 : i32
      %dma_wait3A_349 = arith.constant 0 : i32
      %dma_wait3A_350 = tpu.memref_slice %arg5[%dma_wait3A_348, %dma_wait3A_349] : memref<1000000x128xf32, #tpu.memory_space<hbm>> -> memref<1000000x128xf32, #tpu.memory_space<hbm>>
      tpu.wait_indirect_dma semaphore(%arg14 : memref<!tpu.dma_semaphore, #tpu.memory_space<semaphore_mem>>) src(%dma_wait3A_350 : memref<1000000x128xf32, #tpu.memory_space<hbm>>) dst(%dma_wait3A_344 : memref<128x128xf32, #tpu.memory_space<vmem>>)
      %get3A_351 = arith.index_cast %add3A_324 : i32 to index
      %get3A_352 = arith.constant 0 : index
      %get3A_353 = tpu.vector_load %arg12[%get3A_351, %get3A_352] {strides = array<i32>} : memref<25x128xf32, #tpu.memory_space<vmem>>, vector<1x16xf32>,
      %get3A_354 = vector.shape_cast %get3A_353 : vector<1x16xf32> to vector<16xf32>
      %get3A_355 = arith.index_cast %add3A_324 : i32 to index
      %get3A_356 = arith.constant 16 : index
      %get3A_357 = tpu.vector_load %arg12[%get3A_355, %get3A_356] {strides = array<i32>} : memref<25x128xf32, #tpu.memory_space<vmem>>, vector<1x16xf32>,
      %get3A_358 = vector.shape_cast %get3A_357 : vector<1x16xf32> to vector<16xf32>
      %get3A_359 = arith.index_cast %add3A_324 : i32 to index
      %get3A_360 = arith.constant 32 : index
      %get3A_361 = tpu.vector_load %arg12[%get3A_359, %get3A_360] {strides = array<i32>} : memref<25x128xf32, #tpu.memory_space<vmem>>, vector<1x16xf32>,
      %get3A_362 = vector.shape_cast %get3A_361 : vector<1x16xf32> to vector<16xf32>
      %get3A_363 = arith.index_cast %add3A_324 : i32 to index
      %get3A_364 = arith.constant 48 : index
      %get3A_365 = tpu.vector_load %arg12[%get3A_363, %get3A_364] {strides = array<i32>} : memref<25x128xf32, #tpu.memory_space<vmem>>, vector<1x16xf32>,
      %get3A_366 = vector.shape_cast %get3A_365 : vector<1x16xf32> to vector<16xf32>
      %get3A_367 = arith.index_cast %add3A_324 : i32 to index
      %get3A_368 = arith.constant 64 : index
      %get3A_369 = tpu.vector_load %arg12[%get3A_367, %get3A_368] {strides = array<i32>} : memref<25x128xf32, #tpu.memory_space<vmem>>, vector<1x16xf32>,
      %get3A_370 = vector.shape_cast %get3A_369 : vector<1x16xf32> to vector<16xf32>
      %get3A_371 = arith.index_cast %add3A_324 : i32 to index
      %get3A_372 = arith.constant 80 : index
      %get3A_373 = tpu.vector_load %arg12[%get3A_371, %get3A_372] {strides = array<i32>} : memref<25x128xf32, #tpu.memory_space<vmem>>, vector<1x16xf32>,
      %get3A_374 = vector.shape_cast %get3A_373 : vector<1x16xf32> to vector<16xf32>
      %get3A_375 = arith.index_cast %add3A_324 : i32 to index
      %get3A_376 = arith.constant 96 : index
      %get3A_377 = tpu.vector_load %arg12[%get3A_375, %get3A_376] {strides = array<i32>} : memref<25x128xf32, #tpu.memory_space<vmem>>, vector<1x16xf32>,
      %get3A_378 = vector.shape_cast %get3A_377 : vector<1x16xf32> to vector<16xf32>
      %get3A_379 = arith.index_cast %add3A_324 : i32 to index
      %get3A_380 = arith.constant 112 : index
      %get3A_381 = tpu.vector_load %arg12[%get3A_379, %get3A_380] {strides = array<i32>} : memref<25x128xf32, #tpu.memory_space<vmem>>, vector<1x16xf32>,
      %get3A_382 = vector.shape_cast %get3A_381 : vector<1x16xf32> to vector<16xf32>
      %parallel_loop3A_383 = arith.constant 0 : i32
      %parallel_loop3A_384 = arith.constant 256 : i32
      %parallel_loop3A_385 = arith.constant 1 : i32
      scf.for %parallel_loop3A_511 = %parallel_loop3A_383 to %parallel_loop3A_384 step %parallel_loop3A_385  : i32 {
        %parallel_loop3A_512 = arith.index_cast %parallel_loop3A_511 : i32 to index
        %parallel_loop3A_513 = arith.constant 0 : index
        %parallel_loop3A_514 = tpu.vector_load %arg10[%parallel_loop3A_512, %parallel_loop3A_513] {strides = array<i32>} : memref<256x128xf32, #tpu.memory_space<vmem>>, vector<1x16xf32>,
        %parallel_loop3A_515 = vector.shape_cast %parallel_loop3A_514 : vector<1x16xf32> to vector<16xf32>
        %parallel_loop3A_516 = arith.addf %parallel_loop3A_515, %get3A_354 : vector<16xf32>
        %parallel_loop3A_517 = arith.index_cast %parallel_loop3A_511 : i32 to index
        %parallel_loop3A_518 = arith.constant 0 : index
        %parallel_loop3A_519 = tpu.vector_load %arg10[%parallel_loop3A_517, %parallel_loop3A_518] {strides = array<i32>} : memref<256x128xf32, #tpu.memory_space<vmem>>, vector<1x16xf32>,
        %parallel_loop3A_520 = vector.shape_cast %parallel_loop3A_519 : vector<1x16xf32> to vector<16xf32>
        %parallel_loop3A_521 = vector.shape_cast %parallel_loop3A_516 : vector<16xf32> to vector<1x16xf32>
        tpu.vector_store %arg10[%parallel_loop3A_517, %parallel_loop3A_518], %parallel_loop3A_521 {strides = array<i32>} : memref<256x128xf32, #tpu.memory_space<vmem>>, vector<1x16xf32>,
        %parallel_loop3A_522 = arith.index_cast %parallel_loop3A_511 : i32 to index
        %parallel_loop3A_523 = arith.constant 16 : index
        %parallel_loop3A_524 = tpu.vector_load %arg10[%parallel_loop3A_522, %parallel_loop3A_523] {strides = array<i32>} : memref<256x128xf32, #tpu.memory_space<vmem>>, vector<1x16xf32>,
        %parallel_loop3A_525 = vector.shape_cast %parallel_loop3A_524 : vector<1x16xf32> to vector<16xf32>
        %parallel_loop3A_526 = arith.addf %parallel_loop3A_525, %get3A_358 : vector<16xf32>
        %parallel_loop3A_527 = arith.index_cast %parallel_loop3A_511 : i32 to index
        %parallel_loop3A_528 = arith.constant 16 : index
        %parallel_loop3A_529 = tpu.vector_load %arg10[%parallel_loop3A_527, %parallel_loop3A_528] {strides = array<i32>} : memref<256x128xf32, #tpu.memory_space<vmem>>, vector<1x16xf32>,
        %parallel_loop3A_530 = vector.shape_cast %parallel_loop3A_529 : vector<1x16xf32> to vector<16xf32>
        %parallel_loop3A_531 = vector.shape_cast %parallel_loop3A_526 : vector<16xf32> to vector<1x16xf32>
        tpu.vector_store %arg10[%parallel_loop3A_527, %parallel_loop3A_528], %parallel_loop3A_531 {strides = array<i32>} : memref<256x128xf32, #tpu.memory_space<vmem>>, vector<1x16xf32>,
        %parallel_loop3A_532 = arith.index_cast %parallel_loop3A_511 : i32 to index
        %parallel_loop3A_533 = arith.constant 32 : index
        %parallel_loop3A_534 = tpu.vector_load %arg10[%parallel_loop3A_532, %parallel_loop3A_533] {strides = array<i32>} : memref<256x128xf32, #tpu.memory_space<vmem>>, vector<1x16xf32>,
        %parallel_loop3A_535 = vector.shape_cast %parallel_loop3A_534 : vector<1x16xf32> to vector<16xf32>
        %parallel_loop3A_536 = arith.addf %parallel_loop3A_535, %get3A_362 : vector<16xf32>
        %parallel_loop3A_537 = arith.index_cast %parallel_loop3A_511 : i32 to index
        %parallel_loop3A_538 = arith.constant 32 : index
        %parallel_loop3A_539 = tpu.vector_load %arg10[%parallel_loop3A_537, %parallel_loop3A_538] {strides = array<i32>} : memref<256x128xf32, #tpu.memory_space<vmem>>, vector<1x16xf32>,
        %parallel_loop3A_540 = vector.shape_cast %parallel_loop3A_539 : vector<1x16xf32> to vector<16xf32>
        %parallel_loop3A_541 = vector.shape_cast %parallel_loop3A_536 : vector<16xf32> to vector<1x16xf32>
        tpu.vector_store %arg10[%parallel_loop3A_537, %parallel_loop3A_538], %parallel_loop3A_541 {strides = array<i32>} : memref<256x128xf32, #tpu.memory_space<vmem>>, vector<1x16xf32>,
        %parallel_loop3A_542 = arith.index_cast %parallel_loop3A_511 : i32 to index
        %parallel_loop3A_543 = arith.constant 48 : index
        %parallel_loop3A_544 = tpu.vector_load %arg10[%parallel_loop3A_542, %parallel_loop3A_543] {strides = array<i32>} : memref<256x128xf32, #tpu.memory_space<vmem>>, vector<1x16xf32>,
        %parallel_loop3A_545 = vector.shape_cast %parallel_loop3A_544 : vector<1x16xf32> to vector<16xf32>
        %parallel_loop3A_546 = arith.addf %parallel_loop3A_545, %get3A_366 : vector<16xf32>
        %parallel_loop3A_547 = arith.index_cast %parallel_loop3A_511 : i32 to index
        %parallel_loop3A_548 = arith.constant 48 : index
        %parallel_loop3A_549 = tpu.vector_load %arg10[%parallel_loop3A_547, %parallel_loop3A_548] {strides = array<i32>} : memref<256x128xf32, #tpu.memory_space<vmem>>, vector<1x16xf32>,
        %parallel_loop3A_550 = vector.shape_cast %parallel_loop3A_549 : vector<1x16xf32> to vector<16xf32>
        %parallel_loop3A_551 = vector.shape_cast %parallel_loop3A_546 : vector<16xf32> to vector<1x16xf32>
        tpu.vector_store %arg10[%parallel_loop3A_547, %parallel_loop3A_548], %parallel_loop3A_551 {strides = array<i32>} : memref<256x128xf32, #tpu.memory_space<vmem>>, vector<1x16xf32>,
        %parallel_loop3A_552 = arith.index_cast %parallel_loop3A_511 : i32 to index
        %parallel_loop3A_553 = arith.constant 64 : index
        %parallel_loop3A_554 = tpu.vector_load %arg10[%parallel_loop3A_552, %parallel_loop3A_553] {strides = array<i32>} : memref<256x128xf32, #tpu.memory_space<vmem>>, vector<1x16xf32>,
        %parallel_loop3A_555 = vector.shape_cast %parallel_loop3A_554 : vector<1x16xf32> to vector<16xf32>
        %parallel_loop3A_556 = arith.addf %parallel_loop3A_555, %get3A_370 : vector<16xf32>
        %parallel_loop3A_557 = arith.index_cast %parallel_loop3A_511 : i32 to index
        %parallel_loop3A_558 = arith.constant 64 : index
        %parallel_loop3A_559 = tpu.vector_load %arg10[%parallel_loop3A_557, %parallel_loop3A_558] {strides = array<i32>} : memref<256x128xf32, #tpu.memory_space<vmem>>, vector<1x16xf32>,
        %parallel_loop3A_560 = vector.shape_cast %parallel_loop3A_559 : vector<1x16xf32> to vector<16xf32>
        %parallel_loop3A_561 = vector.shape_cast %parallel_loop3A_556 : vector<16xf32> to vector<1x16xf32>
        tpu.vector_store %arg10[%parallel_loop3A_557, %parallel_loop3A_558], %parallel_loop3A_561 {strides = array<i32>} : memref<256x128xf32, #tpu.memory_space<vmem>>, vector<1x16xf32>,
        %parallel_loop3A_562 = arith.index_cast %parallel_loop3A_511 : i32 to index
        %parallel_loop3A_563 = arith.constant 80 : index
        %parallel_loop3A_564 = tpu.vector_load %arg10[%parallel_loop3A_562, %parallel_loop3A_563] {strides = array<i32>} : memref<256x128xf32, #tpu.memory_space<vmem>>, vector<1x16xf32>,
        %parallel_loop3A_565 = vector.shape_cast %parallel_loop3A_564 : vector<1x16xf32> to vector<16xf32>
        %parallel_loop3A_566 = arith.addf %parallel_loop3A_565, %get3A_374 : vector<16xf32>
        %parallel_loop3A_567 = arith.index_cast %parallel_loop3A_511 : i32 to index
        %parallel_loop3A_568 = arith.constant 80 : index
        %parallel_loop3A_569 = tpu.vector_load %arg10[%parallel_loop3A_567, %parallel_loop3A_568] {strides = array<i32>} : memref<256x128xf32, #tpu.memory_space<vmem>>, vector<1x16xf32>,
        %parallel_loop3A_570 = vector.shape_cast %parallel_loop3A_569 : vector<1x16xf32> to vector<16xf32>
        %parallel_loop3A_571 = vector.shape_cast %parallel_loop3A_566 : vector<16xf32> to vector<1x16xf32>
        tpu.vector_store %arg10[%parallel_loop3A_567, %parallel_loop3A_568], %parallel_loop3A_571 {strides = array<i32>} : memref<256x128xf32, #tpu.memory_space<vmem>>, vector<1x16xf32>,
        %parallel_loop3A_572 = arith.index_cast %parallel_loop3A_511 : i32 to index
        %parallel_loop3A_573 = arith.constant 96 : index
        %parallel_loop3A_574 = tpu.vector_load %arg10[%parallel_loop3A_572, %parallel_loop3A_573] {strides = array<i32>} : memref<256x128xf32, #tpu.memory_space<vmem>>, vector<1x16xf32>,
        %parallel_loop3A_575 = vector.shape_cast %parallel_loop3A_574 : vector<1x16xf32> to vector<16xf32>
        %parallel_loop3A_576 = arith.addf %parallel_loop3A_575, %get3A_378 : vector<16xf32>
        %parallel_loop3A_577 = arith.index_cast %parallel_loop3A_511 : i32 to index
        %parallel_loop3A_578 = arith.constant 96 : index
        %parallel_loop3A_579 = tpu.vector_load %arg10[%parallel_loop3A_577, %parallel_loop3A_578] {strides = array<i32>} : memref<256x128xf32, #tpu.memory_space<vmem>>, vector<1x16xf32>,
        %parallel_loop3A_580 = vector.shape_cast %parallel_loop3A_579 : vector<1x16xf32> to vector<16xf32>
        %parallel_loop3A_581 = vector.shape_cast %parallel_loop3A_576 : vector<16xf32> to vector<1x16xf32>
        tpu.vector_store %arg10[%parallel_loop3A_577, %parallel_loop3A_578], %parallel_loop3A_581 {strides = array<i32>} : memref<256x128xf32, #tpu.memory_space<vmem>>, vector<1x16xf32>,
        %parallel_loop3A_582 = arith.index_cast %parallel_loop3A_511 : i32 to index
        %parallel_loop3A_583 = arith.constant 112 : index
        %parallel_loop3A_584 = tpu.vector_load %arg10[%parallel_loop3A_582, %parallel_loop3A_583] {strides = array<i32>} : memref<256x128xf32, #tpu.memory_space<vmem>>, vector<1x16xf32>,
        %parallel_loop3A_585 = vector.shape_cast %parallel_loop3A_584 : vector<1x16xf32> to vector<16xf32>
        %parallel_loop3A_586 = arith.addf %parallel_loop3A_585, %get3A_382 : vector<16xf32>
        %parallel_loop3A_587 = arith.index_cast %parallel_loop3A_511 : i32 to index
        %parallel_loop3A_588 = arith.constant 112 : index
        %parallel_loop3A_589 = tpu.vector_load %arg10[%parallel_loop3A_587, %parallel_loop3A_588] {strides = array<i32>} : memref<256x128xf32, #tpu.memory_space<vmem>>, vector<1x16xf32>,
        %parallel_loop3A_590 = vector.shape_cast %parallel_loop3A_589 : vector<1x16xf32> to vector<16xf32>
        %parallel_loop3A_591 = vector.shape_cast %parallel_loop3A_586 : vector<16xf32> to vector<1x16xf32>
        tpu.vector_store %arg10[%parallel_loop3A_587, %parallel_loop3A_588], %parallel_loop3A_591 {strides = array<i32>} : memref<256x128xf32, #tpu.memory_space<vmem>>, vector<1x16xf32>,
      } {sc.loop_unroll_factor = 4 : i64, sc.parallel_access}
      %dma_start3A_386 = arith.constant 0 : i32
      %dma_start3A_387 = arith.constant 0 : i32
      %dma_start3A_388 = arith.constant 0 : i32
      %dma_start3A_389 = tpu.memref_slice %arg10[%dma_start3A_387, %dma_start3A_388] : memref<256x128xf32, #tpu.memory_space<vmem>> -> memref<128x128xf32, #tpu.memory_space<vmem>>
      %dma_start3A_390 = arith.constant 0 : i32
      %dma_start3A_391 = tpu.memref_slice %arg8[%add3A_324, %dma_start3A_386, %dma_start3A_390] : memref<25x2x128xi32, #tpu.memory_space<vmem>> -> memref<1x1x128xi32, #tpu.memory_space<vmem>>
      %dma_start3A_392 = tpu.memref_squeeze %dma_start3A_391 : memref<1x1x128xi32, #tpu.memory_space<vmem>> -> memref<128xi32, #tpu.memory_space<vmem>>
      %dma_start3A_393 = arith.constant 0 : i32
      %dma_start3A_394 = arith.constant 0 : i32
      %dma_start3A_395 = tpu.memref_slice %arg6[%dma_start3A_393, %dma_start3A_394] : memref<204800x128xf32, #tpu.memory_space<hbm>> -> memref<204800x128xf32, #tpu.memory_space<hbm>>
      tpu.enqueue_indirect_dma source(%dma_start3A_389 : memref<128x128xf32, #tpu.memory_space<vmem>>) target(%dma_start3A_395 : memref<204800x128xf32, #tpu.memory_space<hbm>>) offsets(%dma_start3A_392 : memref<128xi32, #tpu.memory_space<vmem>>) semaphore(%arg17 : memref<!tpu.dma_semaphore, #tpu.memory_space<semaphore_mem>>)
      %dma_start3A_396 = arith.constant 1 : i32
      %dma_start3A_397 = arith.constant 128 : i32
      %dma_start3A_398 = arith.constant 0 : i32
      %dma_start3A_399 = tpu.memref_slice %arg10[%dma_start3A_397, %dma_start3A_398] : memref<256x128xf32, #tpu.memory_space<vmem>> -> memref<128x128xf32, #tpu.memory_space<vmem>>
      %dma_start3A_400 = arith.constant 0 : i32
      %dma_start3A_401 = tpu.memref_slice %arg8[%add3A_324, %dma_start3A_396, %dma_start3A_400] : memref<25x2x128xi32, #tpu.memory_space<vmem>> -> memref<1x1x128xi32, #tpu.memory_space<vmem>>
      %dma_start3A_402 = tpu.memref_squeeze %dma_start3A_401 : memref<1x1x128xi32, #tpu.memory_space<vmem>> -> memref<128xi32, #tpu.memory_space<vmem>>
      %dma_start3A_403 = arith.constant 0 : i32
      %dma_start3A_404 = arith.constant 0 : i32
      %dma_start3A_405 = tpu.memref_slice %arg6[%dma_start3A_403, %dma_start3A_404] : memref<204800x128xf32, #tpu.memory_space<hbm>> -> memref<204800x128xf32, #tpu.memory_space<hbm>>
      tpu.enqueue_indirect_dma source(%dma_start3A_399 : memref<128x128xf32, #tpu.memory_space<vmem>>) target(%dma_start3A_405 : memref<204800x128xf32, #tpu.memory_space<hbm>>) offsets(%dma_start3A_402 : memref<128xi32, #tpu.memory_space<vmem>>) semaphore(%arg17 : memref<!tpu.dma_semaphore, #tpu.memory_space<semaphore_mem>>)
      %ge3A_406 = arith.constant 1 : i32
      %ge3A_407 = arith.cmpi sge, %add3A_324, %ge3A_406 : i32
      %add3A_408 = arith.constant 2 : i32
      %add3A_409 = arith.addi %add3A_324, %add3A_408 : i32
      %lt3A_410 = arith.constant 25 : i32
      %lt3A_411 = arith.cmpi slt, %add3A_409, %lt3A_410 : i32
      %and3A_412 = arith.andi %ge3A_407, %lt3A_411 : i1
      %convert_element_type3A_413 = arith.extui %and3A_412 : i1 to i32
      %cond3A_414 = arith.constant 0 : i32
      %cond3A_415 = arith.cmpi ne, %convert_element_type3A_413, %cond3A_414 : i32
      scf.if %cond3A_415 {
        %sub3A_511 = arith.constant 1 : i32
        %sub3A_512 = arith.subi %add3A_324, %sub3A_511 : i32
        %dma_wait3A_513 = arith.constant 0 : i32
        %dma_wait3A_514 = arith.constant 0 : i32
        %dma_wait3A_515 = arith.constant 0 : i32
        %dma_wait3A_516 = tpu.memref_slice %arg9[%dma_wait3A_514, %dma_wait3A_515] : memref<256x128xf32, #tpu.memory_space<vmem>> -> memref<128x128xf32, #tpu.memory_space<vmem>>
        %dma_wait3A_517 = arith.constant 0 : i32
        %dma_wait3A_518 = tpu.memref_slice %arg8[%sub3A_512, %dma_wait3A_513, %dma_wait3A_517] : memref<25x2x128xi32, #tpu.memory_space<vmem>> -> memref<1x1x128xi32, #tpu.memory_space<vmem>>
        %dma_wait3A_519 = tpu.memref_squeeze %dma_wait3A_518 : memref<1x1x128xi32, #tpu.memory_space<vmem>> -> memref<128xi32, #tpu.memory_space<vmem>>
        %dma_wait3A_520 = arith.constant 0 : i32
        %dma_wait3A_521 = arith.constant 0 : i32
        %dma_wait3A_522 = tpu.memref_slice %arg6[%dma_wait3A_520, %dma_wait3A_521] : memref<204800x128xf32, #tpu.memory_space<hbm>> -> memref<204800x128xf32, #tpu.memory_space<hbm>>
        tpu.wait_indirect_dma semaphore(%arg16 : memref<!tpu.dma_semaphore, #tpu.memory_space<semaphore_mem>>) src(%dma_wait3A_516 : memref<128x128xf32, #tpu.memory_space<vmem>>) dst(%dma_wait3A_522 : memref<204800x128xf32, #tpu.memory_space<hbm>>)
        %dma_wait3A_523 = arith.constant 1 : i32
        %dma_wait3A_524 = arith.constant 128 : i32
        %dma_wait3A_525 = arith.constant 0 : i32
        %dma_wait3A_526 = tpu.memref_slice %arg9[%dma_wait3A_524, %dma_wait3A_525] : memref<256x128xf32, #tpu.memory_space<vmem>> -> memref<128x128xf32, #tpu.memory_space<vmem>>
        %dma_wait3A_527 = arith.constant 0 : i32
        %dma_wait3A_528 = tpu.memref_slice %arg8[%sub3A_512, %dma_wait3A_523, %dma_wait3A_527] : memref<25x2x128xi32, #tpu.memory_space<vmem>> -> memref<1x1x128xi32, #tpu.memory_space<vmem>>
        %dma_wait3A_529 = tpu.memref_squeeze %dma_wait3A_528 : memref<1x1x128xi32, #tpu.memory_space<vmem>> -> memref<128xi32, #tpu.memory_space<vmem>>
        %dma_wait3A_530 = arith.constant 0 : i32
        %dma_wait3A_531 = arith.constant 0 : i32
        %dma_wait3A_532 = tpu.memref_slice %arg6[%dma_wait3A_530, %dma_wait3A_531] : memref<204800x128xf32, #tpu.memory_space<hbm>> -> memref<204800x128xf32, #tpu.memory_space<hbm>>
        tpu.wait_indirect_dma semaphore(%arg16 : memref<!tpu.dma_semaphore, #tpu.memory_space<semaphore_mem>>) src(%dma_wait3A_526 : memref<128x128xf32, #tpu.memory_space<vmem>>) dst(%dma_wait3A_532 : memref<204800x128xf32, #tpu.memory_space<hbm>>)
        %add3A_533 = arith.constant 2 : i32
        %add3A_534 = arith.addi %add3A_324, %add3A_533 : i32
        %mul3A_535 = arith.constant 2 : i32
        %mul3A_536 = arith.muli %mul3A_535, %add3A_534 : i32
        %add3A_537 = arith.constant 0 : i32
        %add3A_538 = arith.addi %mul3A_536, %add3A_537 : i32
        %mul3A_539 = arith.constant 2 : i32
        %mul3A_540 = arith.muli %mul3A_539, %add3A_534 : i32
        %add3A_541 = arith.constant 1 : i32
        %add3A_542 = arith.addi %mul3A_540, %add3A_541 : i32
        %dma_start3A_543 = arith.constant 0 : i32
        %dma_start3A_544 = arith.constant 0 : i32
        %dma_start3A_545 = tpu.memref_slice %arg9[%dma_start3A_543, %dma_start3A_544] : memref<256x128xf32, #tpu.memory_space<vmem>> -> memref<128x128xf32, #tpu.memory_space<vmem>>
        %dma_start3A_546 = arith.constant 0 : i32
        %dma_start3A_547 = tpu.memref_slice %arg7[%add3A_538, %dma_start3A_546] : memref<50x128xi32, #tpu.memory_space<vmem>> -> memref<1x128xi32, #tpu.memory_space<vmem>>
        %dma_start3A_548 = tpu.memref_squeeze %dma_start3A_547 : memref<1x128xi32, #tpu.memory_space<vmem>> -> memref<128xi32, #tpu.memory_space<vmem>>
        %dma_start3A_549 = arith.constant 0 : i32
        %dma_start3A_550 = arith.constant 0 : i32
        %dma_start3A_551 = tpu.memref_slice %arg5[%dma_start3A_549, %dma_start3A_550] : memref<1000000x128xf32, #tpu.memory_space<hbm>> -> memref<1000000x128xf32, #tpu.memory_space<hbm>>
        tpu.enqueue_indirect_dma source(%dma_start3A_551 : memref<1000000x128xf32, #tpu.memory_space<hbm>>) target(%dma_start3A_545 : memref<128x128xf32, #tpu.memory_space<vmem>>) offsets(%dma_start3A_548 : memref<128xi32, #tpu.memory_space<vmem>>) semaphore(%arg13 : memref<!tpu.dma_semaphore, #tpu.memory_space<semaphore_mem>>)
        %dma_start3A_552 = arith.constant 128 : i32
        %dma_start3A_553 = arith.constant 0 : i32
        %dma_start3A_554 = tpu.memref_slice %arg9[%dma_start3A_552, %dma_start3A_553] : memref<256x128xf32, #tpu.memory_space<vmem>> -> memref<128x128xf32, #tpu.memory_space<vmem>>
        %dma_start3A_555 = arith.constant 0 : i32
        %dma_start3A_556 = tpu.memref_slice %arg7[%add3A_542, %dma_start3A_555] : memref<50x128xi32, #tpu.memory_space<vmem>> -> memref<1x128xi32, #tpu.memory_space<vmem>>
        %dma_start3A_557 = tpu.memref_squeeze %dma_start3A_556 : memref<1x128xi32, #tpu.memory_space<vmem>> -> memref<128xi32, #tpu.memory_space<vmem>>
        %dma_start3A_558 = arith.constant 0 : i32
        %dma_start3A_559 = arith.constant 0 : i32
        %dma_start3A_560 = tpu.memref_slice %arg5[%dma_start3A_558, %dma_start3A_559] : memref<1000000x128xf32, #tpu.memory_space<hbm>> -> memref<1000000x128xf32, #tpu.memory_space<hbm>>
        tpu.enqueue_indirect_dma source(%dma_start3A_560 : memref<1000000x128xf32, #tpu.memory_space<hbm>>) target(%dma_start3A_554 : memref<128x128xf32, #tpu.memory_space<vmem>>) offsets(%dma_start3A_557 : memref<128xi32, #tpu.memory_space<vmem>>) semaphore(%arg13 : memref<!tpu.dma_semaphore, #tpu.memory_space<semaphore_mem>>)
      } else {
      }
      %mul3A_416 = arith.constant 3 : i32
      %mul3A_417 = arith.muli %scan3A_229, %mul3A_416 : i32
      %add3A_418 = arith.constant 2 : i32
      %add3A_419 = arith.addi %mul3A_417, %add3A_418 : i32
      %mul3A_420 = arith.constant 2 : i32
      %mul3A_421 = arith.muli %mul3A_420, %add3A_419 : i32
      %add3A_422 = arith.constant 0 : i32
      %add3A_423 = arith.addi %mul3A_421, %add3A_422 : i32
      %mul3A_424 = arith.constant 2 : i32
      %mul3A_425 = arith.muli %mul3A_424, %add3A_419 : i32
      %add3A_426 = arith.constant 1 : i32
      %add3A_427 = arith.addi %mul3A_425, %add3A_426 : i32
      %dma_wait3A_428 = arith.constant 0 : i32
      %dma_wait3A_429 = arith.constant 0 : i32
      %dma_wait3A_430 = tpu.memref_slice %arg11[%dma_wait3A_428, %dma_wait3A_429] : memref<256x128xf32, #tpu.memory_space<vmem>> -> memref<128x128xf32, #tpu.memory_space<vmem>>
      %dma_wait3A_431 = arith.constant 0 : i32
      %dma_wait3A_432 = tpu.memref_slice %arg7[%add3A_423, %dma_wait3A_431] : memref<50x128xi32, #tpu.memory_space<vmem>> -> memref<1x128xi32, #tpu.memory_space<vmem>>
      %dma_wait3A_433 = tpu.memref_squeeze %dma_wait3A_432 : memref<1x128xi32, #tpu.memory_space<vmem>> -> memref<128xi32, #tpu.memory_space<vmem>>
      %dma_wait3A_434 = arith.constant 0 : i32
      %dma_wait3A_435 = arith.constant 0 : i32
      %dma_wait3A_436 = tpu.memref_slice %arg5[%dma_wait3A_434, %dma_wait3A_435] : memref<1000000x128xf32, #tpu.memory_space<hbm>> -> memref<1000000x128xf32, #tpu.memory_space<hbm>>
      tpu.wait_indirect_dma semaphore(%arg15 : memref<!tpu.dma_semaphore, #tpu.memory_space<semaphore_mem>>) src(%dma_wait3A_436 : memref<1000000x128xf32, #tpu.memory_space<hbm>>) dst(%dma_wait3A_430 : memref<128x128xf32, #tpu.memory_space<vmem>>)
      %dma_wait3A_437 = arith.constant 128 : i32
      %dma_wait3A_438 = arith.constant 0 : i32
      %dma_wait3A_439 = tpu.memref_slice %arg11[%dma_wait3A_437, %dma_wait3A_438] : memref<256x128xf32, #tpu.memory_space<vmem>> -> memref<128x128xf32, #tpu.memory_space<vmem>>
      %dma_wait3A_440 = arith.constant 0 : i32
      %dma_wait3A_441 = tpu.memref_slice %arg7[%add3A_427, %dma_wait3A_440] : memref<50x128xi32, #tpu.memory_space<vmem>> -> memref<1x128xi32, #tpu.memory_space<vmem>>
      %dma_wait3A_442 = tpu.memref_squeeze %dma_wait3A_441 : memref<1x128xi32, #tpu.memory_space<vmem>> -> memref<128xi32, #tpu.memory_space<vmem>>
      %dma_wait3A_443 = arith.constant 0 : i32
      %dma_wait3A_444 = arith.constant 0 : i32
      %dma_wait3A_445 = tpu.memref_slice %arg5[%dma_wait3A_443, %dma_wait3A_444] : memref<1000000x128xf32, #tpu.memory_space<hbm>> -> memref<1000000x128xf32, #tpu.memory_space<hbm>>
      tpu.wait_indirect_dma semaphore(%arg15 : memref<!tpu.dma_semaphore, #tpu.memory_space<semaphore_mem>>) src(%dma_wait3A_445 : memref<1000000x128xf32, #tpu.memory_space<hbm>>) dst(%dma_wait3A_439 : memref<128x128xf32, #tpu.memory_space<vmem>>)
      %get3A_446 = arith.index_cast %add3A_419 : i32 to index
      %get3A_447 = arith.constant 0 : index
      %get3A_448 = tpu.vector_load %arg12[%get3A_446, %get3A_447] {strides = array<i32>} : memref<25x128xf32, #tpu.memory_space<vmem>>, vector<1x16xf32>,
      %get3A_449 = vector.shape_cast %get3A_448 : vector<1x16xf32> to vector<16xf32>
      %get3A_450 = arith.index_cast %add3A_419 : i32 to index
      %get3A_451 = arith.constant 16 : index
      %get3A_452 = tpu.vector_load %arg12[%get3A_450, %get3A_451] {strides = array<i32>} : memref<25x128xf32, #tpu.memory_space<vmem>>, vector<1x16xf32>,
      %get3A_453 = vector.shape_cast %get3A_452 : vector<1x16xf32> to vector<16xf32>
      %get3A_454 = arith.index_cast %add3A_419 : i32 to index
      %get3A_455 = arith.constant 32 : index
      %get3A_456 = tpu.vector_load %arg12[%get3A_454, %get3A_455] {strides = array<i32>} : memref<25x128xf32, #tpu.memory_space<vmem>>, vector<1x16xf32>,
      %get3A_457 = vector.shape_cast %get3A_456 : vector<1x16xf32> to vector<16xf32>
      %get3A_458 = arith.index_cast %add3A_419 : i32 to index
      %get3A_459 = arith.constant 48 : index
      %get3A_460 = tpu.vector_load %arg12[%get3A_458, %get3A_459] {strides = array<i32>} : memref<25x128xf32, #tpu.memory_space<vmem>>, vector<1x16xf32>,
      %get3A_461 = vector.shape_cast %get3A_460 : vector<1x16xf32> to vector<16xf32>
      %get3A_462 = arith.index_cast %add3A_419 : i32 to index
      %get3A_463 = arith.constant 64 : index
      %get3A_464 = tpu.vector_load %arg12[%get3A_462, %get3A_463] {strides = array<i32>} : memref<25x128xf32, #tpu.memory_space<vmem>>, vector<1x16xf32>,
      %get3A_465 = vector.shape_cast %get3A_464 : vector<1x16xf32> to vector<16xf32>
      %get3A_466 = arith.index_cast %add3A_419 : i32 to index
      %get3A_467 = arith.constant 80 : index
      %get3A_468 = tpu.vector_load %arg12[%get3A_466, %get3A_467] {strides = array<i32>} : memref<25x128xf32, #tpu.memory_space<vmem>>, vector<1x16xf32>,
      %get3A_469 = vector.shape_cast %get3A_468 : vector<1x16xf32> to vector<16xf32>
      %get3A_470 = arith.index_cast %add3A_419 : i32 to index
      %get3A_471 = arith.constant 96 : index
      %get3A_472 = tpu.vector_load %arg12[%get3A_470, %get3A_471] {strides = array<i32>} : memref<25x128xf32, #tpu.memory_space<vmem>>, vector<1x16xf32>,
      %get3A_473 = vector.shape_cast %get3A_472 : vector<1x16xf32> to vector<16xf32>
      %get3A_474 = arith.index_cast %add3A_419 : i32 to index
      %get3A_475 = arith.constant 112 : index
      %get3A_476 = tpu.vector_load %arg12[%get3A_474, %get3A_475] {strides = array<i32>} : memref<25x128xf32, #tpu.memory_space<vmem>>, vector<1x16xf32>,
      %get3A_477 = vector.shape_cast %get3A_476 : vector<1x16xf32> to vector<16xf32>
      %parallel_loop3A_478 = arith.constant 0 : i32
      %parallel_loop3A_479 = arith.constant 256 : i32
      %parallel_loop3A_480 = arith.constant 1 : i32
      scf.for %parallel_loop3A_511 = %parallel_loop3A_478 to %parallel_loop3A_479 step %parallel_loop3A_480  : i32 {
        %parallel_loop3A_512 = arith.index_cast %parallel_loop3A_511 : i32 to index
        %parallel_loop3A_513 = arith.constant 0 : index
        %parallel_loop3A_514 = tpu.vector_load %arg11[%parallel_loop3A_512, %parallel_loop3A_513] {strides = array<i32>} : memref<256x128xf32, #tpu.memory_space<vmem>>, vector<1x16xf32>,
        %parallel_loop3A_515 = vector.shape_cast %parallel_loop3A_514 : vector<1x16xf32> to vector<16xf32>
        %parallel_loop3A_516 = arith.addf %parallel_loop3A_515, %get3A_449 : vector<16xf32>
        %parallel_loop3A_517 = arith.index_cast %parallel_loop3A_511 : i32 to index
        %parallel_loop3A_518 = arith.constant 0 : index
        %parallel_loop3A_519 = tpu.vector_load %arg11[%parallel_loop3A_517, %parallel_loop3A_518] {strides = array<i32>} : memref<256x128xf32, #tpu.memory_space<vmem>>, vector<1x16xf32>,
        %parallel_loop3A_520 = vector.shape_cast %parallel_loop3A_519 : vector<1x16xf32> to vector<16xf32>
        %parallel_loop3A_521 = vector.shape_cast %parallel_loop3A_516 : vector<16xf32> to vector<1x16xf32>
        tpu.vector_store %arg11[%parallel_loop3A_517, %parallel_loop3A_518], %parallel_loop3A_521 {strides = array<i32>} : memref<256x128xf32, #tpu.memory_space<vmem>>, vector<1x16xf32>,
        %parallel_loop3A_522 = arith.index_cast %parallel_loop3A_511 : i32 to index
        %parallel_loop3A_523 = arith.constant 16 : index
        %parallel_loop3A_524 = tpu.vector_load %arg11[%parallel_loop3A_522, %parallel_loop3A_523] {strides = array<i32>} : memref<256x128xf32, #tpu.memory_space<vmem>>, vector<1x16xf32>,
        %parallel_loop3A_525 = vector.shape_cast %parallel_loop3A_524 : vector<1x16xf32> to vector<16xf32>
        %parallel_loop3A_526 = arith.addf %parallel_loop3A_525, %get3A_453 : vector<16xf32>
        %parallel_loop3A_527 = arith.index_cast %parallel_loop3A_511 : i32 to index
        %parallel_loop3A_528 = arith.constant 16 : index
        %parallel_loop3A_529 = tpu.vector_load %arg11[%parallel_loop3A_527, %parallel_loop3A_528] {strides = array<i32>} : memref<256x128xf32, #tpu.memory_space<vmem>>, vector<1x16xf32>,
        %parallel_loop3A_530 = vector.shape_cast %parallel_loop3A_529 : vector<1x16xf32> to vector<16xf32>
        %parallel_loop3A_531 = vector.shape_cast %parallel_loop3A_526 : vector<16xf32> to vector<1x16xf32>
        tpu.vector_store %arg11[%parallel_loop3A_527, %parallel_loop3A_528], %parallel_loop3A_531 {strides = array<i32>} : memref<256x128xf32, #tpu.memory_space<vmem>>, vector<1x16xf32>,
        %parallel_loop3A_532 = arith.index_cast %parallel_loop3A_511 : i32 to index
        %parallel_loop3A_533 = arith.constant 32 : index
        %parallel_loop3A_534 = tpu.vector_load %arg11[%parallel_loop3A_532, %parallel_loop3A_533] {strides = array<i32>} : memref<256x128xf32, #tpu.memory_space<vmem>>, vector<1x16xf32>,
        %parallel_loop3A_535 = vector.shape_cast %parallel_loop3A_534 : vector<1x16xf32> to vector<16xf32>
        %parallel_loop3A_536 = arith.addf %parallel_loop3A_535, %get3A_457 : vector<16xf32>
        %parallel_loop3A_537 = arith.index_cast %parallel_loop3A_511 : i32 to index
        %parallel_loop3A_538 = arith.constant 32 : index
        %parallel_loop3A_539 = tpu.vector_load %arg11[%parallel_loop3A_537, %parallel_loop3A_538] {strides = array<i32>} : memref<256x128xf32, #tpu.memory_space<vmem>>, vector<1x16xf32>,
        %parallel_loop3A_540 = vector.shape_cast %parallel_loop3A_539 : vector<1x16xf32> to vector<16xf32>
        %parallel_loop3A_541 = vector.shape_cast %parallel_loop3A_536 : vector<16xf32> to vector<1x16xf32>
        tpu.vector_store %arg11[%parallel_loop3A_537, %parallel_loop3A_538], %parallel_loop3A_541 {strides = array<i32>} : memref<256x128xf32, #tpu.memory_space<vmem>>, vector<1x16xf32>,
        %parallel_loop3A_542 = arith.index_cast %parallel_loop3A_511 : i32 to index
        %parallel_loop3A_543 = arith.constant 48 : index
        %parallel_loop3A_544 = tpu.vector_load %arg11[%parallel_loop3A_542, %parallel_loop3A_543] {strides = array<i32>} : memref<256x128xf32, #tpu.memory_space<vmem>>, vector<1x16xf32>,
        %parallel_loop3A_545 = vector.shape_cast %parallel_loop3A_544 : vector<1x16xf32> to vector<16xf32>
        %parallel_loop3A_546 = arith.addf %parallel_loop3A_545, %get3A_461 : vector<16xf32>
        %parallel_loop3A_547 = arith.index_cast %parallel_loop3A_511 : i32 to index
        %parallel_loop3A_548 = arith.constant 48 : index
        %parallel_loop3A_549 = tpu.vector_load %arg11[%parallel_loop3A_547, %parallel_loop3A_548] {strides = array<i32>} : memref<256x128xf32, #tpu.memory_space<vmem>>, vector<1x16xf32>,
        %parallel_loop3A_550 = vector.shape_cast %parallel_loop3A_549 : vector<1x16xf32> to vector<16xf32>
        %parallel_loop3A_551 = vector.shape_cast %parallel_loop3A_546 : vector<16xf32> to vector<1x16xf32>
        tpu.vector_store %arg11[%parallel_loop3A_547, %parallel_loop3A_548], %parallel_loop3A_551 {strides = array<i32>} : memref<256x128xf32, #tpu.memory_space<vmem>>, vector<1x16xf32>,
        %parallel_loop3A_552 = arith.index_cast %parallel_loop3A_511 : i32 to index
        %parallel_loop3A_553 = arith.constant 64 : index
        %parallel_loop3A_554 = tpu.vector_load %arg11[%parallel_loop3A_552, %parallel_loop3A_553] {strides = array<i32>} : memref<256x128xf32, #tpu.memory_space<vmem>>, vector<1x16xf32>,
        %parallel_loop3A_555 = vector.shape_cast %parallel_loop3A_554 : vector<1x16xf32> to vector<16xf32>
        %parallel_loop3A_556 = arith.addf %parallel_loop3A_555, %get3A_465 : vector<16xf32>
        %parallel_loop3A_557 = arith.index_cast %parallel_loop3A_511 : i32 to index
        %parallel_loop3A_558 = arith.constant 64 : index
        %parallel_loop3A_559 = tpu.vector_load %arg11[%parallel_loop3A_557, %parallel_loop3A_558] {strides = array<i32>} : memref<256x128xf32, #tpu.memory_space<vmem>>, vector<1x16xf32>,
        %parallel_loop3A_560 = vector.shape_cast %parallel_loop3A_559 : vector<1x16xf32> to vector<16xf32>
        %parallel_loop3A_561 = vector.shape_cast %parallel_loop3A_556 : vector<16xf32> to vector<1x16xf32>
        tpu.vector_store %arg11[%parallel_loop3A_557, %parallel_loop3A_558], %parallel_loop3A_561 {strides = array<i32>} : memref<256x128xf32, #tpu.memory_space<vmem>>, vector<1x16xf32>,
        %parallel_loop3A_562 = arith.index_cast %parallel_loop3A_511 : i32 to index
        %parallel_loop3A_563 = arith.constant 80 : index
        %parallel_loop3A_564 = tpu.vector_load %arg11[%parallel_loop3A_562, %parallel_loop3A_563] {strides = array<i32>} : memref<256x128xf32, #tpu.memory_space<vmem>>, vector<1x16xf32>,
        %parallel_loop3A_565 = vector.shape_cast %parallel_loop3A_564 : vector<1x16xf32> to vector<16xf32>
        %parallel_loop3A_566 = arith.addf %parallel_loop3A_565, %get3A_469 : vector<16xf32>
        %parallel_loop3A_567 = arith.index_cast %parallel_loop3A_511 : i32 to index
        %parallel_loop3A_568 = arith.constant 80 : index
        %parallel_loop3A_569 = tpu.vector_load %arg11[%parallel_loop3A_567, %parallel_loop3A_568] {strides = array<i32>} : memref<256x128xf32, #tpu.memory_space<vmem>>, vector<1x16xf32>,
        %parallel_loop3A_570 = vector.shape_cast %parallel_loop3A_569 : vector<1x16xf32> to vector<16xf32>
        %parallel_loop3A_571 = vector.shape_cast %parallel_loop3A_566 : vector<16xf32> to vector<1x16xf32>
        tpu.vector_store %arg11[%parallel_loop3A_567, %parallel_loop3A_568], %parallel_loop3A_571 {strides = array<i32>} : memref<256x128xf32, #tpu.memory_space<vmem>>, vector<1x16xf32>,
        %parallel_loop3A_572 = arith.index_cast %parallel_loop3A_511 : i32 to index
        %parallel_loop3A_573 = arith.constant 96 : index
        %parallel_loop3A_574 = tpu.vector_load %arg11[%parallel_loop3A_572, %parallel_loop3A_573] {strides = array<i32>} : memref<256x128xf32, #tpu.memory_space<vmem>>, vector<1x16xf32>,
        %parallel_loop3A_575 = vector.shape_cast %parallel_loop3A_574 : vector<1x16xf32> to vector<16xf32>
        %parallel_loop3A_576 = arith.addf %parallel_loop3A_575, %get3A_473 : vector<16xf32>
        %parallel_loop3A_577 = arith.index_cast %parallel_loop3A_511 : i32 to index
        %parallel_loop3A_578 = arith.constant 96 : index
        %parallel_loop3A_579 = tpu.vector_load %arg11[%parallel_loop3A_577, %parallel_loop3A_578] {strides = array<i32>} : memref<256x128xf32, #tpu.memory_space<vmem>>, vector<1x16xf32>,
        %parallel_loop3A_580 = vector.shape_cast %parallel_loop3A_579 : vector<1x16xf32> to vector<16xf32>
        %parallel_loop3A_581 = vector.shape_cast %parallel_loop3A_576 : vector<16xf32> to vector<1x16xf32>
        tpu.vector_store %arg11[%parallel_loop3A_577, %parallel_loop3A_578], %parallel_loop3A_581 {strides = array<i32>} : memref<256x128xf32, #tpu.memory_space<vmem>>, vector<1x16xf32>,
        %parallel_loop3A_582 = arith.index_cast %parallel_loop3A_511 : i32 to index
        %parallel_loop3A_583 = arith.constant 112 : index
        %parallel_loop3A_584 = tpu.vector_load %arg11[%parallel_loop3A_582, %parallel_loop3A_583] {strides = array<i32>} : memref<256x128xf32, #tpu.memory_space<vmem>>, vector<1x16xf32>,
        %parallel_loop3A_585 = vector.shape_cast %parallel_loop3A_584 : vector<1x16xf32> to vector<16xf32>
        %parallel_loop3A_586 = arith.addf %parallel_loop3A_585, %get3A_477 : vector<16xf32>
        %parallel_loop3A_587 = arith.index_cast %parallel_loop3A_511 : i32 to index
        %parallel_loop3A_588 = arith.constant 112 : index
        %parallel_loop3A_589 = tpu.vector_load %arg11[%parallel_loop3A_587, %parallel_loop3A_588] {strides = array<i32>} : memref<256x128xf32, #tpu.memory_space<vmem>>, vector<1x16xf32>,
        %parallel_loop3A_590 = vector.shape_cast %parallel_loop3A_589 : vector<1x16xf32> to vector<16xf32>
        %parallel_loop3A_591 = vector.shape_cast %parallel_loop3A_586 : vector<16xf32> to vector<1x16xf32>
        tpu.vector_store %arg11[%parallel_loop3A_587, %parallel_loop3A_588], %parallel_loop3A_591 {strides = array<i32>} : memref<256x128xf32, #tpu.memory_space<vmem>>, vector<1x16xf32>,
      } {sc.loop_unroll_factor = 4 : i64, sc.parallel_access}
      %dma_start3A_481 = arith.constant 0 : i32
      %dma_start3A_482 = arith.constant 0 : i32
      %dma_start3A_483 = arith.constant 0 : i32
      %dma_start3A_484 = tpu.memref_slice %arg11[%dma_start3A_482, %dma_start3A_483] : memref<256x128xf32, #tpu.memory_space<vmem>> -> memref<128x128xf32, #tpu.memory_space<vmem>>
      %dma_start3A_485 = arith.constant 0 : i32
      %dma_start3A_486 = tpu.memref_slice %arg8[%add3A_419, %dma_start3A_481, %dma_start3A_485] : memref<25x2x128xi32, #tpu.memory_space<vmem>> -> memref<1x1x128xi32, #tpu.memory_space<vmem>>
      %dma_start3A_487 = tpu.memref_squeeze %dma_start3A_486 : memref<1x1x128xi32, #tpu.memory_space<vmem>> -> memref<128xi32, #tpu.memory_space<vmem>>
      %dma_start3A_488 = arith.constant 0 : i32
      %dma_start3A_489 = arith.constant 0 : i32
      %dma_start3A_490 = tpu.memref_slice %arg6[%dma_start3A_488, %dma_start3A_489] : memref<204800x128xf32, #tpu.memory_space<hbm>> -> memref<204800x128xf32, #tpu.memory_space<hbm>>
      tpu.enqueue_indirect_dma source(%dma_start3A_484 : memref<128x128xf32, #tpu.memory_space<vmem>>) target(%dma_start3A_490 : memref<204800x128xf32, #tpu.memory_space<hbm>>) offsets(%dma_start3A_487 : memref<128xi32, #tpu.memory_space<vmem>>) semaphore(%arg18 : memref<!tpu.dma_semaphore, #tpu.memory_space<semaphore_mem>>)
      %dma_start3A_491 = arith.constant 1 : i32
      %dma_start3A_492 = arith.constant 128 : i32
      %dma_start3A_493 = arith.constant 0 : i32
      %dma_start3A_494 = tpu.memref_slice %arg11[%dma_start3A_492, %dma_start3A_493] : memref<256x128xf32, #tpu.memory_space<vmem>> -> memref<128x128xf32, #tpu.memory_space<vmem>>
      %dma_start3A_495 = arith.constant 0 : i32
      %dma_start3A_496 = tpu.memref_slice %arg8[%add3A_419, %dma_start3A_491, %dma_start3A_495] : memref<25x2x128xi32, #tpu.memory_space<vmem>> -> memref<1x1x128xi32, #tpu.memory_space<vmem>>
      %dma_start3A_497 = tpu.memref_squeeze %dma_start3A_496 : memref<1x1x128xi32, #tpu.memory_space<vmem>> -> memref<128xi32, #tpu.memory_space<vmem>>
      %dma_start3A_498 = arith.constant 0 : i32
      %dma_start3A_499 = arith.constant 0 : i32
      %dma_start3A_500 = tpu.memref_slice %arg6[%dma_start3A_498, %dma_start3A_499] : memref<204800x128xf32, #tpu.memory_space<hbm>> -> memref<204800x128xf32, #tpu.memory_space<hbm>>
      tpu.enqueue_indirect_dma source(%dma_start3A_494 : memref<128x128xf32, #tpu.memory_space<vmem>>) target(%dma_start3A_500 : memref<204800x128xf32, #tpu.memory_space<hbm>>) offsets(%dma_start3A_497 : memref<128xi32, #tpu.memory_space<vmem>>) semaphore(%arg18 : memref<!tpu.dma_semaphore, #tpu.memory_space<semaphore_mem>>)
      %ge3A_501 = arith.constant 1 : i32
      %ge3A_502 = arith.cmpi sge, %add3A_419, %ge3A_501 : i32
      %add3A_503 = arith.constant 2 : i32
      %add3A_504 = arith.addi %add3A_419, %add3A_503 : i32
      %lt3A_505 = arith.constant 25 : i32
      %lt3A_506 = arith.cmpi slt, %add3A_504, %lt3A_505 : i32
      %and3A_507 = arith.andi %ge3A_502, %lt3A_506 : i1
      %convert_element_type3A_508 = arith.extui %and3A_507 : i1 to i32
      %cond3A_509 = arith.constant 0 : i32
      %cond3A_510 = arith.cmpi ne, %convert_element_type3A_508, %cond3A_509 : i32
      scf.if %cond3A_510 {
        %sub3A_511 = arith.constant 1 : i32
        %sub3A_512 = arith.subi %add3A_419, %sub3A_511 : i32
        %dma_wait3A_513 = arith.constant 0 : i32
        %dma_wait3A_514 = arith.constant 0 : i32
        %dma_wait3A_515 = arith.constant 0 : i32
        %dma_wait3A_516 = tpu.memref_slice %arg10[%dma_wait3A_514, %dma_wait3A_515] : memref<256x128xf32, #tpu.memory_space<vmem>> -> memref<128x128xf32, #tpu.memory_space<vmem>>
        %dma_wait3A_517 = arith.constant 0 : i32
        %dma_wait3A_518 = tpu.memref_slice %arg8[%sub3A_512, %dma_wait3A_513, %dma_wait3A_517] : memref<25x2x128xi32, #tpu.memory_space<vmem>> -> memref<1x1x128xi32, #tpu.memory_space<vmem>>
        %dma_wait3A_519 = tpu.memref_squeeze %dma_wait3A_518 : memref<1x1x128xi32, #tpu.memory_space<vmem>> -> memref<128xi32, #tpu.memory_space<vmem>>
        %dma_wait3A_520 = arith.constant 0 : i32
        %dma_wait3A_521 = arith.constant 0 : i32
        %dma_wait3A_522 = tpu.memref_slice %arg6[%dma_wait3A_520, %dma_wait3A_521] : memref<204800x128xf32, #tpu.memory_space<hbm>> -> memref<204800x128xf32, #tpu.memory_space<hbm>>
        tpu.wait_indirect_dma semaphore(%arg17 : memref<!tpu.dma_semaphore, #tpu.memory_space<semaphore_mem>>) src(%dma_wait3A_516 : memref<128x128xf32, #tpu.memory_space<vmem>>) dst(%dma_wait3A_522 : memref<204800x128xf32, #tpu.memory_space<hbm>>)
        %dma_wait3A_523 = arith.constant 1 : i32
        %dma_wait3A_524 = arith.constant 128 : i32
        %dma_wait3A_525 = arith.constant 0 : i32
        %dma_wait3A_526 = tpu.memref_slice %arg10[%dma_wait3A_524, %dma_wait3A_525] : memref<256x128xf32, #tpu.memory_space<vmem>> -> memref<128x128xf32, #tpu.memory_space<vmem>>
        %dma_wait3A_527 = arith.constant 0 : i32
        %dma_wait3A_528 = tpu.memref_slice %arg8[%sub3A_512, %dma_wait3A_523, %dma_wait3A_527] : memref<25x2x128xi32, #tpu.memory_space<vmem>> -> memref<1x1x128xi32, #tpu.memory_space<vmem>>
        %dma_wait3A_529 = tpu.memref_squeeze %dma_wait3A_528 : memref<1x1x128xi32, #tpu.memory_space<vmem>> -> memref<128xi32, #tpu.memory_space<vmem>>
        %dma_wait3A_530 = arith.constant 0 : i32
        %dma_wait3A_531 = arith.constant 0 : i32
        %dma_wait3A_532 = tpu.memref_slice %arg6[%dma_wait3A_530, %dma_wait3A_531] : memref<204800x128xf32, #tpu.memory_space<hbm>> -> memref<204800x128xf32, #tpu.memory_space<hbm>>
        tpu.wait_indirect_dma semaphore(%arg17 : memref<!tpu.dma_semaphore, #tpu.memory_space<semaphore_mem>>) src(%dma_wait3A_526 : memref<128x128xf32, #tpu.memory_space<vmem>>) dst(%dma_wait3A_532 : memref<204800x128xf32, #tpu.memory_space<hbm>>)
        %add3A_533 = arith.constant 2 : i32
        %add3A_534 = arith.addi %add3A_419, %add3A_533 : i32
        %mul3A_535 = arith.constant 2 : i32
        %mul3A_536 = arith.muli %mul3A_535, %add3A_534 : i32
        %add3A_537 = arith.constant 0 : i32
        %add3A_538 = arith.addi %mul3A_536, %add3A_537 : i32
        %mul3A_539 = arith.constant 2 : i32
        %mul3A_540 = arith.muli %mul3A_539, %add3A_534 : i32
        %add3A_541 = arith.constant 1 : i32
        %add3A_542 = arith.addi %mul3A_540, %add3A_541 : i32
        %dma_start3A_543 = arith.constant 0 : i32
        %dma_start3A_544 = arith.constant 0 : i32
        %dma_start3A_545 = tpu.memref_slice %arg10[%dma_start3A_543, %dma_start3A_544] : memref<256x128xf32, #tpu.memory_space<vmem>> -> memref<128x128xf32, #tpu.memory_space<vmem>>
        %dma_start3A_546 = arith.constant 0 : i32
        %dma_start3A_547 = tpu.memref_slice %arg7[%add3A_538, %dma_start3A_546] : memref<50x128xi32, #tpu.memory_space<vmem>> -> memref<1x128xi32, #tpu.memory_space<vmem>>
        %dma_start3A_548 = tpu.memref_squeeze %dma_start3A_547 : memref<1x128xi32, #tpu.memory_space<vmem>> -> memref<128xi32, #tpu.memory_space<vmem>>
        %dma_start3A_549 = arith.constant 0 : i32
        %dma_start3A_550 = arith.constant 0 : i32
        %dma_start3A_551 = tpu.memref_slice %arg5[%dma_start3A_549, %dma_start3A_550] : memref<1000000x128xf32, #tpu.memory_space<hbm>> -> memref<1000000x128xf32, #tpu.memory_space<hbm>>
        tpu.enqueue_indirect_dma source(%dma_start3A_551 : memref<1000000x128xf32, #tpu.memory_space<hbm>>) target(%dma_start3A_545 : memref<128x128xf32, #tpu.memory_space<vmem>>) offsets(%dma_start3A_548 : memref<128xi32, #tpu.memory_space<vmem>>) semaphore(%arg14 : memref<!tpu.dma_semaphore, #tpu.memory_space<semaphore_mem>>)
        %dma_start3A_552 = arith.constant 128 : i32
        %dma_start3A_553 = arith.constant 0 : i32
        %dma_start3A_554 = tpu.memref_slice %arg10[%dma_start3A_552, %dma_start3A_553] : memref<256x128xf32, #tpu.memory_space<vmem>> -> memref<128x128xf32, #tpu.memory_space<vmem>>
        %dma_start3A_555 = arith.constant 0 : i32
        %dma_start3A_556 = tpu.memref_slice %arg7[%add3A_542, %dma_start3A_555] : memref<50x128xi32, #tpu.memory_space<vmem>> -> memref<1x128xi32, #tpu.memory_space<vmem>>
        %dma_start3A_557 = tpu.memref_squeeze %dma_start3A_556 : memref<1x128xi32, #tpu.memory_space<vmem>> -> memref<128xi32, #tpu.memory_space<vmem>>
        %dma_start3A_558 = arith.constant 0 : i32
        %dma_start3A_559 = arith.constant 0 : i32
        %dma_start3A_560 = tpu.memref_slice %arg5[%dma_start3A_558, %dma_start3A_559] : memref<1000000x128xf32, #tpu.memory_space<hbm>> -> memref<1000000x128xf32, #tpu.memory_space<hbm>>
        tpu.enqueue_indirect_dma source(%dma_start3A_560 : memref<1000000x128xf32, #tpu.memory_space<hbm>>) target(%dma_start3A_554 : memref<128x128xf32, #tpu.memory_space<vmem>>) offsets(%dma_start3A_557 : memref<128xi32, #tpu.memory_space<vmem>>) semaphore(%arg14 : memref<!tpu.dma_semaphore, #tpu.memory_space<semaphore_mem>>)
      } else {
      }
    }
    %scan3A_80 = arith.constant 8 : i32
    %dma_wait3A = arith.constant 48 : i32
    %dma_wait3A_81 = arith.constant 0 : i32
    %dma_wait3A_82 = arith.constant 0 : i32
    %dma_wait3A_83 = tpu.memref_slice %arg9[%dma_wait3A_81, %dma_wait3A_82] : memref<256x128xf32, #tpu.memory_space<vmem>> -> memref<128x128xf32, #tpu.memory_space<vmem>>
    %dma_wait3A_84 = arith.constant 0 : i32
    %dma_wait3A_85 = tpu.memref_slice %arg7[%dma_wait3A, %dma_wait3A_84] : memref<50x128xi32, #tpu.memory_space<vmem>> -> memref<1x128xi32, #tpu.memory_space<vmem>>
    %dma_wait3A_86 = tpu.memref_squeeze %dma_wait3A_85 : memref<1x128xi32, #tpu.memory_space<vmem>> -> memref<128xi32, #tpu.memory_space<vmem>>
    %dma_wait3A_87 = arith.constant 0 : i32
    %dma_wait3A_88 = arith.constant 0 : i32
    %dma_wait3A_89 = tpu.memref_slice %arg5[%dma_wait3A_87, %dma_wait3A_88] : memref<1000000x128xf32, #tpu.memory_space<hbm>> -> memref<1000000x128xf32, #tpu.memory_space<hbm>>
    tpu.wait_indirect_dma semaphore(%arg13 : memref<!tpu.dma_semaphore, #tpu.memory_space<semaphore_mem>>) src(%dma_wait3A_89 : memref<1000000x128xf32, #tpu.memory_space<hbm>>) dst(%dma_wait3A_83 : memref<128x128xf32, #tpu.memory_space<vmem>>)
    %dma_wait3A_90 = arith.constant 49 : i32
    %dma_wait3A_91 = arith.constant 128 : i32
    %dma_wait3A_92 = arith.constant 0 : i32
    %dma_wait3A_93 = tpu.memref_slice %arg9[%dma_wait3A_91, %dma_wait3A_92] : memref<256x128xf32, #tpu.memory_space<vmem>> -> memref<128x128xf32, #tpu.memory_space<vmem>>
    %dma_wait3A_94 = arith.constant 0 : i32
    %dma_wait3A_95 = tpu.memref_slice %arg7[%dma_wait3A_90, %dma_wait3A_94] : memref<50x128xi32, #tpu.memory_space<vmem>> -> memref<1x128xi32, #tpu.memory_space<vmem>>
    %dma_wait3A_96 = tpu.memref_squeeze %dma_wait3A_95 : memref<1x128xi32, #tpu.memory_space<vmem>> -> memref<128xi32, #tpu.memory_space<vmem>>
    %dma_wait3A_97 = arith.constant 0 : i32
    %dma_wait3A_98 = arith.constant 0 : i32
    %dma_wait3A_99 = tpu.memref_slice %arg5[%dma_wait3A_97, %dma_wait3A_98] : memref<1000000x128xf32, #tpu.memory_space<hbm>> -> memref<1000000x128xf32, #tpu.memory_space<hbm>>
    tpu.wait_indirect_dma semaphore(%arg13 : memref<!tpu.dma_semaphore, #tpu.memory_space<semaphore_mem>>) src(%dma_wait3A_99 : memref<1000000x128xf32, #tpu.memory_space<hbm>>) dst(%dma_wait3A_93 : memref<128x128xf32, #tpu.memory_space<vmem>>)
    %get3A = arith.constant 24 : i32
    %get3A_100 = arith.index_cast %get3A : i32 to index
    %get3A_101 = arith.constant 0 : index
    %get3A_102 = tpu.vector_load %arg12[%get3A_100, %get3A_101] {strides = array<i32>} : memref<25x128xf32, #tpu.memory_space<vmem>>, vector<1x16xf32>,
    %get3A_103 = vector.shape_cast %get3A_102 : vector<1x16xf32> to vector<16xf32>
    %get3A_104 = arith.constant 24 : i32
    %get3A_105 = arith.index_cast %get3A_104 : i32 to index
    %get3A_106 = arith.constant 16 : index
    %get3A_107 = tpu.vector_load %arg12[%get3A_105, %get3A_106] {strides = array<i32>} : memref<25x128xf32, #tpu.memory_space<vmem>>, vector<1x16xf32>,
    %get3A_108 = vector.shape_cast %get3A_107 : vector<1x16xf32> to vector<16xf32>
    %get3A_109 = arith.constant 24 : i32
    %get3A_110 = arith.index_cast %get3A_109 : i32 to index
    %get3A_111 = arith.constant 32 : index
    %get3A_112 = tpu.vector_load %arg12[%get3A_110, %get3A_111] {strides = array<i32>} : memref<25x128xf32, #tpu.memory_space<vmem>>, vector<1x16xf32>,
    %get3A_113 = vector.shape_cast %get3A_112 : vector<1x16xf32> to vector<16xf32>
    %get3A_114 = arith.constant 24 : i32
    %get3A_115 = arith.index_cast %get3A_114 : i32 to index
    %get3A_116 = arith.constant 48 : index
    %get3A_117 = tpu.vector_load %arg12[%get3A_115, %get3A_116] {strides = array<i32>} : memref<25x128xf32, #tpu.memory_space<vmem>>, vector<1x16xf32>,
    %get3A_118 = vector.shape_cast %get3A_117 : vector<1x16xf32> to vector<16xf32>
    %get3A_119 = arith.constant 24 : i32
    %get3A_120 = arith.index_cast %get3A_119 : i32 to index
    %get3A_121 = arith.constant 64 : index
    %get3A_122 = tpu.vector_load %arg12[%get3A_120, %get3A_121] {strides = array<i32>} : memref<25x128xf32, #tpu.memory_space<vmem>>, vector<1x16xf32>,
    %get3A_123 = vector.shape_cast %get3A_122 : vector<1x16xf32> to vector<16xf32>
    %get3A_124 = arith.constant 24 : i32
    %get3A_125 = arith.index_cast %get3A_124 : i32 to index
    %get3A_126 = arith.constant 80 : index
    %get3A_127 = tpu.vector_load %arg12[%get3A_125, %get3A_126] {strides = array<i32>} : memref<25x128xf32, #tpu.memory_space<vmem>>, vector<1x16xf32>,
    %get3A_128 = vector.shape_cast %get3A_127 : vector<1x16xf32> to vector<16xf32>
    %get3A_129 = arith.constant 24 : i32
    %get3A_130 = arith.index_cast %get3A_129 : i32 to index
    %get3A_131 = arith.constant 96 : index
    %get3A_132 = tpu.vector_load %arg12[%get3A_130, %get3A_131] {strides = array<i32>} : memref<25x128xf32, #tpu.memory_space<vmem>>, vector<1x16xf32>,
    %get3A_133 = vector.shape_cast %get3A_132 : vector<1x16xf32> to vector<16xf32>
    %get3A_134 = arith.constant 24 : i32
    %get3A_135 = arith.index_cast %get3A_134 : i32 to index
    %get3A_136 = arith.constant 112 : index
    %get3A_137 = tpu.vector_load %arg12[%get3A_135, %get3A_136] {strides = array<i32>} : memref<25x128xf32, #tpu.memory_space<vmem>>, vector<1x16xf32>,
    %get3A_138 = vector.shape_cast %get3A_137 : vector<1x16xf32> to vector<16xf32>
    %parallel_loop3A = arith.constant 0 : i32
    %parallel_loop3A_139 = arith.constant 256 : i32
    %parallel_loop3A_140 = arith.constant 1 : i32
    scf.for %parallel_loop3A_229 = %parallel_loop3A to %parallel_loop3A_139 step %parallel_loop3A_140  : i32 {
      %parallel_loop3A_230 = arith.index_cast %parallel_loop3A_229 : i32 to index
      %parallel_loop3A_231 = arith.constant 0 : index
      %parallel_loop3A_232 = tpu.vector_load %arg9[%parallel_loop3A_230, %parallel_loop3A_231] {strides = array<i32>} : memref<256x128xf32, #tpu.memory_space<vmem>>, vector<1x16xf32>,
      %parallel_loop3A_233 = vector.shape_cast %parallel_loop3A_232 : vector<1x16xf32> to vector<16xf32>
      %parallel_loop3A_234 = arith.addf %parallel_loop3A_233, %get3A_103 : vector<16xf32>
      %parallel_loop3A_235 = arith.index_cast %parallel_loop3A_229 : i32 to index
      %parallel_loop3A_236 = arith.constant 0 : index
      %parallel_loop3A_237 = tpu.vector_load %arg9[%parallel_loop3A_235, %parallel_loop3A_236] {strides = array<i32>} : memref<256x128xf32, #tpu.memory_space<vmem>>, vector<1x16xf32>,
      %parallel_loop3A_238 = vector.shape_cast %parallel_loop3A_237 : vector<1x16xf32> to vector<16xf32>
      %parallel_loop3A_239 = vector.shape_cast %parallel_loop3A_234 : vector<16xf32> to vector<1x16xf32>
      tpu.vector_store %arg9[%parallel_loop3A_235, %parallel_loop3A_236], %parallel_loop3A_239 {strides = array<i32>} : memref<256x128xf32, #tpu.memory_space<vmem>>, vector<1x16xf32>,
      %parallel_loop3A_240 = arith.index_cast %parallel_loop3A_229 : i32 to index
      %parallel_loop3A_241 = arith.constant 16 : index
      %parallel_loop3A_242 = tpu.vector_load %arg9[%parallel_loop3A_240, %parallel_loop3A_241] {strides = array<i32>} : memref<256x128xf32, #tpu.memory_space<vmem>>, vector<1x16xf32>,
      %parallel_loop3A_243 = vector.shape_cast %parallel_loop3A_242 : vector<1x16xf32> to vector<16xf32>
      %parallel_loop3A_244 = arith.addf %parallel_loop3A_243, %get3A_108 : vector<16xf32>
      %parallel_loop3A_245 = arith.index_cast %parallel_loop3A_229 : i32 to index
      %parallel_loop3A_246 = arith.constant 16 : index
      %parallel_loop3A_247 = tpu.vector_load %arg9[%parallel_loop3A_245, %parallel_loop3A_246] {strides = array<i32>} : memref<256x128xf32, #tpu.memory_space<vmem>>, vector<1x16xf32>,
      %parallel_loop3A_248 = vector.shape_cast %parallel_loop3A_247 : vector<1x16xf32> to vector<16xf32>
      %parallel_loop3A_249 = vector.shape_cast %parallel_loop3A_244 : vector<16xf32> to vector<1x16xf32>
      tpu.vector_store %arg9[%parallel_loop3A_245, %parallel_loop3A_246], %parallel_loop3A_249 {strides = array<i32>} : memref<256x128xf32, #tpu.memory_space<vmem>>, vector<1x16xf32>,
      %parallel_loop3A_250 = arith.index_cast %parallel_loop3A_229 : i32 to index
      %parallel_loop3A_251 = arith.constant 32 : index
      %parallel_loop3A_252 = tpu.vector_load %arg9[%parallel_loop3A_250, %parallel_loop3A_251] {strides = array<i32>} : memref<256x128xf32, #tpu.memory_space<vmem>>, vector<1x16xf32>,
      %parallel_loop3A_253 = vector.shape_cast %parallel_loop3A_252 : vector<1x16xf32> to vector<16xf32>
      %parallel_loop3A_254 = arith.addf %parallel_loop3A_253, %get3A_113 : vector<16xf32>
      %parallel_loop3A_255 = arith.index_cast %parallel_loop3A_229 : i32 to index
      %parallel_loop3A_256 = arith.constant 32 : index
      %parallel_loop3A_257 = tpu.vector_load %arg9[%parallel_loop3A_255, %parallel_loop3A_256] {strides = array<i32>} : memref<256x128xf32, #tpu.memory_space<vmem>>, vector<1x16xf32>,
      %parallel_loop3A_258 = vector.shape_cast %parallel_loop3A_257 : vector<1x16xf32> to vector<16xf32>
      %parallel_loop3A_259 = vector.shape_cast %parallel_loop3A_254 : vector<16xf32> to vector<1x16xf32>
      tpu.vector_store %arg9[%parallel_loop3A_255, %parallel_loop3A_256], %parallel_loop3A_259 {strides = array<i32>} : memref<256x128xf32, #tpu.memory_space<vmem>>, vector<1x16xf32>,
      %parallel_loop3A_260 = arith.index_cast %parallel_loop3A_229 : i32 to index
      %parallel_loop3A_261 = arith.constant 48 : index
      %parallel_loop3A_262 = tpu.vector_load %arg9[%parallel_loop3A_260, %parallel_loop3A_261] {strides = array<i32>} : memref<256x128xf32, #tpu.memory_space<vmem>>, vector<1x16xf32>,
      %parallel_loop3A_263 = vector.shape_cast %parallel_loop3A_262 : vector<1x16xf32> to vector<16xf32>
      %parallel_loop3A_264 = arith.addf %parallel_loop3A_263, %get3A_118 : vector<16xf32>
      %parallel_loop3A_265 = arith.index_cast %parallel_loop3A_229 : i32 to index
      %parallel_loop3A_266 = arith.constant 48 : index
      %parallel_loop3A_267 = tpu.vector_load %arg9[%parallel_loop3A_265, %parallel_loop3A_266] {strides = array<i32>} : memref<256x128xf32, #tpu.memory_space<vmem>>, vector<1x16xf32>,
      %parallel_loop3A_268 = vector.shape_cast %parallel_loop3A_267 : vector<1x16xf32> to vector<16xf32>
      %parallel_loop3A_269 = vector.shape_cast %parallel_loop3A_264 : vector<16xf32> to vector<1x16xf32>
      tpu.vector_store %arg9[%parallel_loop3A_265, %parallel_loop3A_266], %parallel_loop3A_269 {strides = array<i32>} : memref<256x128xf32, #tpu.memory_space<vmem>>, vector<1x16xf32>,
      %parallel_loop3A_270 = arith.index_cast %parallel_loop3A_229 : i32 to index
      %parallel_loop3A_271 = arith.constant 64 : index
      %parallel_loop3A_272 = tpu.vector_load %arg9[%parallel_loop3A_270, %parallel_loop3A_271] {strides = array<i32>} : memref<256x128xf32, #tpu.memory_space<vmem>>, vector<1x16xf32>,
      %parallel_loop3A_273 = vector.shape_cast %parallel_loop3A_272 : vector<1x16xf32> to vector<16xf32>
      %parallel_loop3A_274 = arith.addf %parallel_loop3A_273, %get3A_123 : vector<16xf32>
      %parallel_loop3A_275 = arith.index_cast %parallel_loop3A_229 : i32 to index
      %parallel_loop3A_276 = arith.constant 64 : index
      %parallel_loop3A_277 = tpu.vector_load %arg9[%parallel_loop3A_275, %parallel_loop3A_276] {strides = array<i32>} : memref<256x128xf32, #tpu.memory_space<vmem>>, vector<1x16xf32>,
      %parallel_loop3A_278 = vector.shape_cast %parallel_loop3A_277 : vector<1x16xf32> to vector<16xf32>
      %parallel_loop3A_279 = vector.shape_cast %parallel_loop3A_274 : vector<16xf32> to vector<1x16xf32>
      tpu.vector_store %arg9[%parallel_loop3A_275, %parallel_loop3A_276], %parallel_loop3A_279 {strides = array<i32>} : memref<256x128xf32, #tpu.memory_space<vmem>>, vector<1x16xf32>,
      %parallel_loop3A_280 = arith.index_cast %parallel_loop3A_229 : i32 to index
      %parallel_loop3A_281 = arith.constant 80 : index
      %parallel_loop3A_282 = tpu.vector_load %arg9[%parallel_loop3A_280, %parallel_loop3A_281] {strides = array<i32>} : memref<256x128xf32, #tpu.memory_space<vmem>>, vector<1x16xf32>,
      %parallel_loop3A_283 = vector.shape_cast %parallel_loop3A_282 : vector<1x16xf32> to vector<16xf32>
      %parallel_loop3A_284 = arith.addf %parallel_loop3A_283, %get3A_128 : vector<16xf32>
      %parallel_loop3A_285 = arith.index_cast %parallel_loop3A_229 : i32 to index
      %parallel_loop3A_286 = arith.constant 80 : index
      %parallel_loop3A_287 = tpu.vector_load %arg9[%parallel_loop3A_285, %parallel_loop3A_286] {strides = array<i32>} : memref<256x128xf32, #tpu.memory_space<vmem>>, vector<1x16xf32>,
      %parallel_loop3A_288 = vector.shape_cast %parallel_loop3A_287 : vector<1x16xf32> to vector<16xf32>
      %parallel_loop3A_289 = vector.shape_cast %parallel_loop3A_284 : vector<16xf32> to vector<1x16xf32>
      tpu.vector_store %arg9[%parallel_loop3A_285, %parallel_loop3A_286], %parallel_loop3A_289 {strides = array<i32>} : memref<256x128xf32, #tpu.memory_space<vmem>>, vector<1x16xf32>,
      %parallel_loop3A_290 = arith.index_cast %parallel_loop3A_229 : i32 to index
      %parallel_loop3A_291 = arith.constant 96 : index
      %parallel_loop3A_292 = tpu.vector_load %arg9[%parallel_loop3A_290, %parallel_loop3A_291] {strides = array<i32>} : memref<256x128xf32, #tpu.memory_space<vmem>>, vector<1x16xf32>,
      %parallel_loop3A_293 = vector.shape_cast %parallel_loop3A_292 : vector<1x16xf32> to vector<16xf32>
      %parallel_loop3A_294 = arith.addf %parallel_loop3A_293, %get3A_133 : vector<16xf32>
      %parallel_loop3A_295 = arith.index_cast %parallel_loop3A_229 : i32 to index
      %parallel_loop3A_296 = arith.constant 96 : index
      %parallel_loop3A_297 = tpu.vector_load %arg9[%parallel_loop3A_295, %parallel_loop3A_296] {strides = array<i32>} : memref<256x128xf32, #tpu.memory_space<vmem>>, vector<1x16xf32>,
      %parallel_loop3A_298 = vector.shape_cast %parallel_loop3A_297 : vector<1x16xf32> to vector<16xf32>
      %parallel_loop3A_299 = vector.shape_cast %parallel_loop3A_294 : vector<16xf32> to vector<1x16xf32>
      tpu.vector_store %arg9[%parallel_loop3A_295, %parallel_loop3A_296], %parallel_loop3A_299 {strides = array<i32>} : memref<256x128xf32, #tpu.memory_space<vmem>>, vector<1x16xf32>,
      %parallel_loop3A_300 = arith.index_cast %parallel_loop3A_229 : i32 to index
      %parallel_loop3A_301 = arith.constant 112 : index
      %parallel_loop3A_302 = tpu.vector_load %arg9[%parallel_loop3A_300, %parallel_loop3A_301] {strides = array<i32>} : memref<256x128xf32, #tpu.memory_space<vmem>>, vector<1x16xf32>,
      %parallel_loop3A_303 = vector.shape_cast %parallel_loop3A_302 : vector<1x16xf32> to vector<16xf32>
      %parallel_loop3A_304 = arith.addf %parallel_loop3A_303, %get3A_138 : vector<16xf32>
      %parallel_loop3A_305 = arith.index_cast %parallel_loop3A_229 : i32 to index
      %parallel_loop3A_306 = arith.constant 112 : index
      %parallel_loop3A_307 = tpu.vector_load %arg9[%parallel_loop3A_305, %parallel_loop3A_306] {strides = array<i32>} : memref<256x128xf32, #tpu.memory_space<vmem>>, vector<1x16xf32>,
      %parallel_loop3A_308 = vector.shape_cast %parallel_loop3A_307 : vector<1x16xf32> to vector<16xf32>
      %parallel_loop3A_309 = vector.shape_cast %parallel_loop3A_304 : vector<16xf32> to vector<1x16xf32>
      tpu.vector_store %arg9[%parallel_loop3A_305, %parallel_loop3A_306], %parallel_loop3A_309 {strides = array<i32>} : memref<256x128xf32, #tpu.memory_space<vmem>>, vector<1x16xf32>,
    } {sc.loop_unroll_factor = 4 : i64, sc.parallel_access}
    %dma_start3A_141 = arith.constant 24 : i32
    %dma_start3A_142 = arith.constant 0 : i32
    %dma_start3A_143 = arith.constant 0 : i32
    %dma_start3A_144 = arith.constant 0 : i32
    %dma_start3A_145 = tpu.memref_slice %arg9[%dma_start3A_143, %dma_start3A_144] : memref<256x128xf32, #tpu.memory_space<vmem>> -> memref<128x128xf32, #tpu.memory_space<vmem>>
    %dma_start3A_146 = arith.constant 0 : i32
    %dma_start3A_147 = tpu.memref_slice %arg8[%dma_start3A_141, %dma_start3A_142, %dma_start3A_146] : memref<25x2x128xi32, #tpu.memory_space<vmem>> -> memref<1x1x128xi32, #tpu.memory_space<vmem>>
    %dma_start3A_148 = tpu.memref_squeeze %dma_start3A_147 : memref<1x1x128xi32, #tpu.memory_space<vmem>> -> memref<128xi32, #tpu.memory_space<vmem>>
    %dma_start3A_149 = arith.constant 0 : i32
    %dma_start3A_150 = arith.constant 0 : i32
    %dma_start3A_151 = tpu.memref_slice %arg6[%dma_start3A_149, %dma_start3A_150] : memref<204800x128xf32, #tpu.memory_space<hbm>> -> memref<204800x128xf32, #tpu.memory_space<hbm>>
    tpu.enqueue_indirect_dma source(%dma_start3A_145 : memref<128x128xf32, #tpu.memory_space<vmem>>) target(%dma_start3A_151 : memref<204800x128xf32, #tpu.memory_space<hbm>>) offsets(%dma_start3A_148 : memref<128xi32, #tpu.memory_space<vmem>>) semaphore(%arg16 : memref<!tpu.dma_semaphore, #tpu.memory_space<semaphore_mem>>)
    %dma_start3A_152 = arith.constant 24 : i32
    %dma_start3A_153 = arith.constant 1 : i32
    %dma_start3A_154 = arith.constant 128 : i32
    %dma_start3A_155 = arith.constant 0 : i32
    %dma_start3A_156 = tpu.memref_slice %arg9[%dma_start3A_154, %dma_start3A_155] : memref<256x128xf32, #tpu.memory_space<vmem>> -> memref<128x128xf32, #tpu.memory_space<vmem>>
    %dma_start3A_157 = arith.constant 0 : i32
    %dma_start3A_158 = tpu.memref_slice %arg8[%dma_start3A_152, %dma_start3A_153, %dma_start3A_157] : memref<25x2x128xi32, #tpu.memory_space<vmem>> -> memref<1x1x128xi32, #tpu.memory_space<vmem>>
    %dma_start3A_159 = tpu.memref_squeeze %dma_start3A_158 : memref<1x1x128xi32, #tpu.memory_space<vmem>> -> memref<128xi32, #tpu.memory_space<vmem>>
    %dma_start3A_160 = arith.constant 0 : i32
    %dma_start3A_161 = arith.constant 0 : i32
    %dma_start3A_162 = tpu.memref_slice %arg6[%dma_start3A_160, %dma_start3A_161] : memref<204800x128xf32, #tpu.memory_space<hbm>> -> memref<204800x128xf32, #tpu.memory_space<hbm>>
    tpu.enqueue_indirect_dma source(%dma_start3A_156 : memref<128x128xf32, #tpu.memory_space<vmem>>) target(%dma_start3A_162 : memref<204800x128xf32, #tpu.memory_space<hbm>>) offsets(%dma_start3A_159 : memref<128xi32, #tpu.memory_space<vmem>>) semaphore(%arg16 : memref<!tpu.dma_semaphore, #tpu.memory_space<semaphore_mem>>)
    %dma_wait3A_163 = arith.constant 22 : i32
    %dma_wait3A_164 = arith.constant 0 : i32
    %dma_wait3A_165 = arith.constant 0 : i32
    %dma_wait3A_166 = arith.constant 0 : i32
    %dma_wait3A_167 = tpu.memref_slice %arg10[%dma_wait3A_165, %dma_wait3A_166] : memref<256x128xf32, #tpu.memory_space<vmem>> -> memref<128x128xf32, #tpu.memory_space<vmem>>
    %dma_wait3A_168 = arith.constant 0 : i32
    %dma_wait3A_169 = tpu.memref_slice %arg8[%dma_wait3A_163, %dma_wait3A_164, %dma_wait3A_168] : memref<25x2x128xi32, #tpu.memory_space<vmem>> -> memref<1x1x128xi32, #tpu.memory_space<vmem>>
    %dma_wait3A_170 = tpu.memref_squeeze %dma_wait3A_169 : memref<1x1x128xi32, #tpu.memory_space<vmem>> -> memref<128xi32, #tpu.memory_space<vmem>>
    %dma_wait3A_171 = arith.constant 0 : i32
    %dma_wait3A_172 = arith.constant 0 : i32
    %dma_wait3A_173 = tpu.memref_slice %arg6[%dma_wait3A_171, %dma_wait3A_172] : memref<204800x128xf32, #tpu.memory_space<hbm>> -> memref<204800x128xf32, #tpu.memory_space<hbm>>
    tpu.wait_indirect_dma semaphore(%arg17 : memref<!tpu.dma_semaphore, #tpu.memory_space<semaphore_mem>>) src(%dma_wait3A_167 : memref<128x128xf32, #tpu.memory_space<vmem>>) dst(%dma_wait3A_173 : memref<204800x128xf32, #tpu.memory_space<hbm>>)
    %dma_wait3A_174 = arith.constant 22 : i32
    %dma_wait3A_175 = arith.constant 1 : i32
    %dma_wait3A_176 = arith.constant 128 : i32
    %dma_wait3A_177 = arith.constant 0 : i32
    %dma_wait3A_178 = tpu.memref_slice %arg10[%dma_wait3A_176, %dma_wait3A_177] : memref<256x128xf32, #tpu.memory_space<vmem>> -> memref<128x128xf32, #tpu.memory_space<vmem>>
    %dma_wait3A_179 = arith.constant 0 : i32
    %dma_wait3A_180 = tpu.memref_slice %arg8[%dma_wait3A_174, %dma_wait3A_175, %dma_wait3A_179] : memref<25x2x128xi32, #tpu.memory_space<vmem>> -> memref<1x1x128xi32, #tpu.memory_space<vmem>>
    %dma_wait3A_181 = tpu.memref_squeeze %dma_wait3A_180 : memref<1x1x128xi32, #tpu.memory_space<vmem>> -> memref<128xi32, #tpu.memory_space<vmem>>
    %dma_wait3A_182 = arith.constant 0 : i32
    %dma_wait3A_183 = arith.constant 0 : i32
    %dma_wait3A_184 = tpu.memref_slice %arg6[%dma_wait3A_182, %dma_wait3A_183] : memref<204800x128xf32, #tpu.memory_space<hbm>> -> memref<204800x128xf32, #tpu.memory_space<hbm>>
    tpu.wait_indirect_dma semaphore(%arg17 : memref<!tpu.dma_semaphore, #tpu.memory_space<semaphore_mem>>) src(%dma_wait3A_178 : memref<128x128xf32, #tpu.memory_space<vmem>>) dst(%dma_wait3A_184 : memref<204800x128xf32, #tpu.memory_space<hbm>>)
    %dma_wait3A_185 = arith.constant 23 : i32
    %dma_wait3A_186 = arith.constant 0 : i32
    %dma_wait3A_187 = arith.constant 0 : i32
    %dma_wait3A_188 = arith.constant 0 : i32
    %dma_wait3A_189 = tpu.memref_slice %arg11[%dma_wait3A_187, %dma_wait3A_188] : memref<256x128xf32, #tpu.memory_space<vmem>> -> memref<128x128xf32, #tpu.memory_space<vmem>>
    %dma_wait3A_190 = arith.constant 0 : i32
    %dma_wait3A_191 = tpu.memref_slice %arg8[%dma_wait3A_185, %dma_wait3A_186, %dma_wait3A_190] : memref<25x2x128xi32, #tpu.memory_space<vmem>> -> memref<1x1x128xi32, #tpu.memory_space<vmem>>
    %dma_wait3A_192 = tpu.memref_squeeze %dma_wait3A_191 : memref<1x1x128xi32, #tpu.memory_space<vmem>> -> memref<128xi32, #tpu.memory_space<vmem>>
    %dma_wait3A_193 = arith.constant 0 : i32
    %dma_wait3A_194 = arith.constant 0 : i32
    %dma_wait3A_195 = tpu.memref_slice %arg6[%dma_wait3A_193, %dma_wait3A_194] : memref<204800x128xf32, #tpu.memory_space<hbm>> -> memref<204800x128xf32, #tpu.memory_space<hbm>>
    tpu.wait_indirect_dma semaphore(%arg18 : memref<!tpu.dma_semaphore, #tpu.memory_space<semaphore_mem>>) src(%dma_wait3A_189 : memref<128x128xf32, #tpu.memory_space<vmem>>) dst(%dma_wait3A_195 : memref<204800x128xf32, #tpu.memory_space<hbm>>)
    %dma_wait3A_196 = arith.constant 23 : i32
    %dma_wait3A_197 = arith.constant 1 : i32
    %dma_wait3A_198 = arith.constant 128 : i32
    %dma_wait3A_199 = arith.constant 0 : i32
    %dma_wait3A_200 = tpu.memref_slice %arg11[%dma_wait3A_198, %dma_wait3A_199] : memref<256x128xf32, #tpu.memory_space<vmem>> -> memref<128x128xf32, #tpu.memory_space<vmem>>
    %dma_wait3A_201 = arith.constant 0 : i32
    %dma_wait3A_202 = tpu.memref_slice %arg8[%dma_wait3A_196, %dma_wait3A_197, %dma_wait3A_201] : memref<25x2x128xi32, #tpu.memory_space<vmem>> -> memref<1x1x128xi32, #tpu.memory_space<vmem>>
    %dma_wait3A_203 = tpu.memref_squeeze %dma_wait3A_202 : memref<1x1x128xi32, #tpu.memory_space<vmem>> -> memref<128xi32, #tpu.memory_space<vmem>>
    %dma_wait3A_204 = arith.constant 0 : i32
    %dma_wait3A_205 = arith.constant 0 : i32
    %dma_wait3A_206 = tpu.memref_slice %arg6[%dma_wait3A_204, %dma_wait3A_205] : memref<204800x128xf32, #tpu.memory_space<hbm>> -> memref<204800x128xf32, #tpu.memory_space<hbm>>
    tpu.wait_indirect_dma semaphore(%arg18 : memref<!tpu.dma_semaphore, #tpu.memory_space<semaphore_mem>>) src(%dma_wait3A_200 : memref<128x128xf32, #tpu.memory_space<vmem>>) dst(%dma_wait3A_206 : memref<204800x128xf32, #tpu.memory_space<hbm>>)
    %dma_wait3A_207 = arith.constant 24 : i32
    %dma_wait3A_208 = arith.constant 0 : i32
    %dma_wait3A_209 = arith.constant 0 : i32
    %dma_wait3A_210 = arith.constant 0 : i32
    %dma_wait3A_211 = tpu.memref_slice %arg9[%dma_wait3A_209, %dma_wait3A_210] : memref<256x128xf32, #tpu.memory_space<vmem>> -> memref<128x128xf32, #tpu.memory_space<vmem>>
    %dma_wait3A_212 = arith.constant 0 : i32
    %dma_wait3A_213 = tpu.memref_slice %arg8[%dma_wait3A_207, %dma_wait3A_208, %dma_wait3A_212] : memref<25x2x128xi32, #tpu.memory_space<vmem>> -> memref<1x1x128xi32, #tpu.memory_space<vmem>>
    %dma_wait3A_214 = tpu.memref_squeeze %dma_wait3A_213 : memref<1x1x128xi32, #tpu.memory_space<vmem>> -> memref<128xi32, #tpu.memory_space<vmem>>
    %dma_wait3A_215 = arith.constant 0 : i32
    %dma_wait3A_216 = arith.constant 0 : i32
    %dma_wait3A_217 = tpu.memref_slice %arg6[%dma_wait3A_215, %dma_wait3A_216] : memref<204800x128xf32, #tpu.memory_space<hbm>> -> memref<204800x128xf32, #tpu.memory_space<hbm>>
    tpu.wait_indirect_dma semaphore(%arg16 : memref<!tpu.dma_semaphore, #tpu.memory_space<semaphore_mem>>) src(%dma_wait3A_211 : memref<128x128xf32, #tpu.memory_space<vmem>>) dst(%dma_wait3A_217 : memref<204800x128xf32, #tpu.memory_space<hbm>>)
    %dma_wait3A_218 = arith.constant 24 : i32
    %dma_wait3A_219 = arith.constant 1 : i32
    %dma_wait3A_220 = arith.constant 128 : i32
    %dma_wait3A_221 = arith.constant 0 : i32
    %dma_wait3A_222 = tpu.memref_slice %arg9[%dma_wait3A_220, %dma_wait3A_221] : memref<256x128xf32, #tpu.memory_space<vmem>> -> memref<128x128xf32, #tpu.memory_space<vmem>>
    %dma_wait3A_223 = arith.constant 0 : i32
    %dma_wait3A_224 = tpu.memref_slice %arg8[%dma_wait3A_218, %dma_wait3A_219, %dma_wait3A_223] : memref<25x2x128xi32, #tpu.memory_space<vmem>> -> memref<1x1x128xi32, #tpu.memory_space<vmem>>
    %dma_wait3A_225 = tpu.memref_squeeze %dma_wait3A_224 : memref<1x1x128xi32, #tpu.memory_space<vmem>> -> memref<128xi32, #tpu.memory_space<vmem>>
    %dma_wait3A_226 = arith.constant 0 : i32
    %dma_wait3A_227 = arith.constant 0 : i32
    %dma_wait3A_228 = tpu.memref_slice %arg6[%dma_wait3A_226, %dma_wait3A_227] : memref<204800x128xf32, #tpu.memory_space<hbm>> -> memref<204800x128xf32, #tpu.memory_space<hbm>>
    tpu.wait_indirect_dma semaphore(%arg16 : memref<!tpu.dma_semaphore, #tpu.memory_space<semaphore_mem>>) src(%dma_wait3A_222 : memref<128x128xf32, #tpu.memory_space<vmem>>) dst(%dma_wait3A_228 : memref<204800x128xf32, #tpu.memory_space<hbm>>)
    return
  }
}

</mosaic_0001>

<sc_bundles>
// kernel: kernel.3.cloned.1.call-start
scs
__scs_entry_jumppad:
0x0: {  	(pc) =	sbr.rel $0x88, $3  }
0x1: {  	(tag) =	ssettag $0x0;
	lr =	simm.s32 $0x1  }
0x2: {  	[smem:$0x3F9F] =	sst lr;
	_ =	strace $0xD0000000  }
0x3: {  	_ = 	snop  }
0x4: {  	_ = 	snop  }
0x5: {  	_ = 	snop  }
0x6: {  	_ = 	snop  }
0x7: {  	_ = 	snop  }
__scs_overlays_trampoline_lowered:
0x8: {  	[smem:$0x3FAE] =	sst s0  }
0x9: {  	[smem:$0x3FAF] =	sst s1  }
0xa: {  	[smem:$0x3FB0] =	sst s2  }
0xb: {  	[smem:$0x3FB1] =	sst s3  }
0xc: {  	[smem:$0x3FB2] =	sst s4  }
0xd: {  	[smem:$0x3FB3] =	sst s5  }
0xe: {  	[smem:$0x3FB4] =	sst s6  }
0xf: {  	[smem:$0x3FB5] =	sst s7  }
0x10: {  	[smem:$0x3FB6] =	sst s8  }
0x11: {  	[smem:$0x3FB7] =	sst s9;
	s0 =	simm.s32 @!p0 $0x0  }
0x12: {  	s1 =	sld [smem:$0x3F9D];
	s0 =	simm.s32 @p0 $0x1  }
0x13: {  	[smem:$0x3FB8] =	sst s0;
	s0 =	simm.s32 @!p1 $0x0  }
0x14: {  	s2 =	sld [smem:$0x3F9C];
	s0 =	simm.s32 @p1 $0x1  }
0x15: {  	[smem:$0x3FB9] =	sst s0;
	s0 =	simm.s32 @!p2 $0x0  }
0x16: {  	s3 =	sld [smem:$0x3FDB];
	s0 =	simm.s32 @p2 $0x1  }
0x17: {  	s4 =	simm.s32 $0x1BF5;
	[smem:$0x3FBB] =	sst s0  }
0x18: {  	s0 =	sld [smem:$0x3F9E];
	_ =	swait.ge [sflag:s4], $0x0  }
0x19: {  	s7 =	sld [smem:$0x3F9F]  }
0x1a: {  	s8 =	sadd.s32 $0xFFFFE003, lr  }
0x1b: {  	s9 =	sadd.s32 $0xFFFFFEF7, lr;
	s5 =	simm.s32 $0xFFFFFFFF;
	p2 =	slt.u32 s8, $0xFFFFF086  }
0x1c: {  	p1 =	slt.u32 s9, $0xF7A;
	s5 =	simm.s32 @!p2 $0x0  }
0x1d: {  	s5 =	simm.s32 @p1 $0x1;
	p0 =	seq.s32 s7, s2  }
0x1e: {  	s7 =	smul.u32 @!p0 $0xF7A, s2;
	p2 =	seq.s32 @!p0 s5, $0x0  }
0x1f: {  	s9 =	smul.u32 $0xF7A, s1;
	s8 =	simm.s32 @!p0 $0x1BF5;
	p2 =	por !p2, p0  }
0x20: {  	[sflag:s8] =	ssyncset.s32 @!p0 $0xFFFFF086;
	s6 =	sadd.s32 @!p0 s3, s7;
	s7 =	simm.s32 @!p0 $0x108  }
0x21: {  	s3 =	sadd.s32 s3, s9;
	s6 =	sadd.s32 @!p0 $0x88, s6;
	s7 =	simm.s32 @p2 $0x1082  }
0x22: {  	[simem:s7], [sflag:s8] =	dma.local @!p0 [hbm:s6], $0xF7A  }
0x23: {  	s9 =	sor.u32 $0xD0000000, s2;
	s6 =	simm.s32 $0x108;
	_ =	swait.ge @!p0 [sflag:s8], $0x0  }
0x24: {  	s3 =	sadd.s32 $0x88, s3;
	s6 =	simm.s32 @!p1 $0x1082;
	[sflag:s4] =	ssyncset.s32 $0xFFFFF086  }
0x25: {  	[simem:s6], [sflag:s4] =	dma.local [hbm:s3], $0xF7A  }
0x26: {  	[smem:$0x3F9F] =	sst s1;
	(tag) =	ssettag s2;
	_ =	strace s9  }
0x27: {  	s1 =	sld [smem:$0x3FAF]  }
0x28: {  	s2 =	sld [smem:$0x3FB0]  }
0x29: {  	s4 =	sld [smem:$0x3FB2]  }
0x2a: {  	p0 =	seq.s32 s5, $0x0;
	s5 =	sld [smem:$0x3FB3]  }
0x2b: {  	s6 =	sld [smem:$0x3FB4]  }
0x2c: {  	s7 =	sld [smem:$0x3FB5]  }
0x2d: {  	s3 =	simm.s32 $0x108;
	s8 =	sld [smem:$0x3FB6]  }
0x2e: {  	s3 =	simm.s32 @!p0 $0x1082;
	s9 =	sld [smem:$0x3FB7]  }
0x2f: {  	lr =	sadd.s32 s0, s3;
	s0 =	sld [smem:$0x3FAE]  }
0x30: {  	s3 =	sld [smem:$0x3FB1]  }
0x31: {  	[smem:$0x3FBA] =	sst s10  }
0x32: {  	s10 =	sld [smem:$0x3FB8];
	_ =	sdelay $0x3  }
0x33: {  	p0 =	seq.s32 s10, $0x1;
	s10 =	sld [smem:$0x3FBA];
	_ =	sdelay $0x3  }
0x34: {  	[smem:$0x3FBA] =	sst s10  }
0x35: {  	s10 =	sld [smem:$0x3FB9];
	_ =	sdelay $0x3  }
0x36: {  	p1 =	seq.s32 s10, $0x1;
	s10 =	sld [smem:$0x3FBA];
	_ =	sdelay $0x3  }
0x37: {  	[smem:$0x3FBA] =	sst s10  }
0x38: {  	s10 =	sld [smem:$0x3FBB]  }
0x39: {  	_ = 	snop;
	(pc) =	sbr.ind lr, $3  }
0x3a: {  	_ = 	snop  }
0x3b: {  	_ = 	snop  }
0x3c: {  	p2 =	seq.s32 s10, $0x1;
	s10 =	sld [smem:$0x3FBA]  }
0x3d: {  	_ =	shalt  }
0x3e: {  	_ =	shalt  }
0x3f: {  	_ =	shalt  }
0x40: {  	_ =	shalt  }
0x41: {  	_ =	shalt  }
0x42: {  	_ =	shalt  }
0x43: {  	_ =	shalt  }
0x44: {  	_ =	shalt  }
0x45: {  	_ =	shalt  }
0x46: {  	_ =	shalt  }
0x47: {  	_ =	shalt  }
0x48: {  	_ =	shalt  }
0x49: {  	_ =	shalt  }
0x4a: {  	_ =	shalt  }
0x4b: {  	_ =	shalt  }
0x4c: {  	_ =	shalt  }
0x4d: {  	_ =	shalt  }
0x4e: {  	_ =	shalt  }
0x4f: {  	_ =	shalt  }
0x50: {  	_ =	shalt  }
0x51: {  	_ =	shalt  }
0x52: {  	_ =	shalt  }
0x53: {  	_ =	shalt  }
0x54: {  	_ =	shalt  }
0x55: {  	_ =	shalt  }
0x56: {  	_ =	shalt  }
0x57: {  	_ =	shalt  }
0x58: {  	_ =	shalt  }
0x59: {  	_ =	shalt  }
0x5a: {  	_ =	shalt  }
0x5b: {  	_ =	shalt  }
0x5c: {  	_ =	shalt  }
0x5d: {  	_ =	shalt  }
0x5e: {  	_ =	shalt  }
0x5f: {  	_ =	shalt  }
0x60: {  	_ =	shalt  }
0x61: {  	_ =	shalt  }
0x62: {  	_ =	shalt  }
0x63: {  	_ =	shalt  }
0x64: {  	_ =	shalt  }
0x65: {  	_ =	shalt  }
0x66: {  	_ =	shalt  }
0x67: {  	_ =	shalt  }
0x68: {  	_ =	shalt  }
0x69: {  	_ =	shalt  }
0x6a: {  	_ =	shalt  }
0x6b: {  	_ =	shalt  }
0x6c: {  	_ =	shalt  }
0x6d: {  	_ =	shalt  }
0x6e: {  	_ =	shalt  }
0x6f: {  	_ =	shalt  }
0x70: {  	_ =	shalt  }
0x71: {  	_ =	shalt  }
0x72: {  	_ =	shalt  }
0x73: {  	_ =	shalt  }
0x74: {  	_ =	shalt  }
0x75: {  	_ =	shalt  }
0x76: {  	_ =	shalt  }
0x77: {  	_ =	shalt  }
0x78: {  	_ =	shalt  }
0x79: {  	_ =	shalt  }
0x7a: {  	_ =	shalt  }
0x7b: {  	_ =	shalt  }
0x7c: {  	_ =	shalt  }
0x7d: {  	_ =	shalt  }
0x7e: {  	_ =	shalt  }
0x7f: {  	_ =	shalt  }
0x80: {  	_ =	shalt  }
0x81: {  	_ =	shalt  }
0x82: {  	_ =	shalt  }
0x83: {  	_ =	shalt  }
0x84: {  	_ =	shalt  }
0x85: {  	_ =	shalt  }
0x86: {  	_ =	shalt  }
0x87: {  	_ =	shalt  }
.Lfunc_end0:
.L_simem_size_0:
called_computation_lowered:
.L_overlay_start_0:
0x88: {  	s2 =	sld [smem:$0x3FD9]  }
0x89: {  	s3 =	sld [smem:$0x3FFE];
	_ =	sdelay $0x1  }
0x8a: {  	s1 =	srdreg.scid  }
0x8b: {  	s0 =	sand.u32 $0x1, s1  }
0x8c: {  	s17 =	sshll.u32 s0, $0xA;
	s2 =	sadd.s32 s3, s2  }
0x8d: {  	s2 =	sadd.s32 s2, s17  }
0x8e: {  	[smem:$0x3FC6] =	sst s2  }
0x8f: {  	_ = 	snop  }
0x90: {  	s2 =	sld [smem:$0x3FC8]  }
0x91: {  	s18 =	sld [smem:$0x3FD0];
	(tm) =	ssettm $0x1  }
0x92: {  	s4 =	sld [smem:$0x3FFB];
	_ =	sdelay $0x3  }
0x93: {  	_ =	strace s4  }
0x94: {  	s4 =	sld [smem:$0x3FFC];
	_ =	sdelay $0x3  }
0x95: {  	_ =	strace s4  }
0x96: {  	s4 =	sld [smem:$0x3FFD];
	_ =	sdelay $0x3  }
0x97: {  	_ =	strace s4  }
0x98: {  	_ =	strace $0x8FFFFFFF  }
0x99: {  	s19 =	sld [smem:$0x3FDB];
	_ =	sdelay $0x1  }
0x9a: {  	s5 =	simm.s32 $_scs_section_size  }
0x9b: {  	s6 =	simm.s32 $_size__tile_overlayer_lowered;
	s7 =	simm.s32 $_tile_overlayer_lowered  }
0x9c: {  	s22 =	simm.s32 $0x1BFF;
	s21 =	sshll.u32 s7, $0x1;
	s4 =	sadd.s32 s5, s19  }
0x9d: {  	s8 =	simm.s32 $0x0;
	s20 =	sshll.u32 s6, $0x1;
	s6 =	sadd.s32 s21, s4  }
0x9e: {  	[timem:s8], [sflag:s22] =	dma.local [hbm:s6], s20  }
0x9f: {  	_ =	swait.ge [sflag:s22], s20  }
0xa0: {  	s5 =	ssub.s32 $0x0, s20;
	[sflag:s22] =	ssyncset.done $0x0  }
0xa1: {  	[sflag:s22] =	ssyncadd.s32 s5;
	_ =	sdelay $0x1  }
0xa2: {  	s23 =	simm.s32 $0x1B8B  }
0xa3: {  	_ =	swait.ge [sflag:s23], $0x1  }
0xa4: {  	[sflag:s23] =	ssyncset.done $0x0  }
0xa5: {  	s25 =	simm.s32 $0x1B8E;
	s24 =	sld [smem:$0x3FFE];
	[sflag:s23] =	ssyncadd.s32 $0xFFFFFFFF  }
0xa6: {  	s26 =	simm.s32 $execute0_lowered;
	[smem:$0x3FD2] =	sst s25  }
0xa7: {  	s6 =	sshll.u32 s26, $0x1;
	_ =	strace $0x80000046;
	[dreg:$0x1] =	wrdreg $0xFFFFFFFF  }
0xa8: {  	s28 =	simm.s32 $_size_execute0_lowered;
	s4 =	sadd.s32 s4, s6;
	[dreg:$0x0] =	wrdreg $0x0  }
0xa9: {  	s6 =	sshll.u32 s28, $0x1;
	[dreg:$0x2] =	wrdreg s4  }
0xaa: {  	[dreg:$0x3] =	wrdreg s6  }
0xab: {  	[dreg:$0x4] =	wrdreg $0xC0  }
0xac: {  	_ =	task [dreg:s8], $0x5FFFF  }
0xad: {  	[dreg:$0x1] =	wrdreg $0xFFFFFFFF  }
0xae: {  	[dreg:$0x0] =	wrdreg $0x60  }
0xaf: {  	[dreg:$0x2] =	wrdreg s24  }
0xb0: {  	[dreg:$0x3] =	wrdreg s2  }
0xb1: {  	[dreg:$0x4] =	wrdreg s18  }
0xb2: {  	[dreg:$0x5] =	wrdreg $0x9  }
0xb3: {  	_ =	task.clear_ibuf [dreg:s8], $0x6FFFF;
	_ =	strace $0x90000046  }
0xb4: {  	s29 =	simm.s32 $0x9;
	_ =	strace $0x80000048  }
0xb5: {  	_ =	swait.ge [sflag:s29], $0x1  }
0xb6: {  	[sflag:s29] =	ssyncadd.s32 $0xFFFFFFFF  }
0xb7: {  	_ =	strace $0x90000048  }
0xb8: {  	_ =	sfence  }
0xb9: {  	s30 =	sld [smem:$0x0];
	_ =	sdelay $0x2  }
0xba: {  	s31 =	sshll.u32 s1, $0xD;
	s1 =	sshrl.u32 s1, $0x2  }
0xbb: {  	s3 =	sand.u32 $0x4000, s31;
	s1 =	sadd.s32 s1, s30  }
0xbc: {  	s0 =	sor.u32 s3, s0;
	s1 =	sshll.u32 s1, $0x11  }
0xbd: {  	s0 =	sor.u32 s1, s0  }
0xbe: {  	s0 =	sadd.s32 $0x8F2B, s0  }
0xbf: {  	[sflag:s0] =	ssyncadd.remote.s32 $0x1  }
0xc0: {  	_ =	sfence.sel $0xFFFF  }
0xc1: {  	[dreg:$0x0] =	wrdreg $0xFFFFFFFF;
	(pc) =	sbr.abs _section_cstart, $3  }
0xc2: {  	[dreg:$0x1] =	wrdreg $0xFFFFFFFF  }
0xc3: {  	_ =	task.clear_ibuf [dreg:s8], $0x2FFFF;
	_ =	strace $0x9FFFFFFF  }
0xc4: {  	(tm) =	ssettm $0x7FFFFFFF  }
0xc5: {  	_ =	shalt  }
tec
execute0_lowered:
.L_overlay_start_1:
0x0: {  	(tag) =	ssettag $0x1  }
0x1: {  	s0 =	rddreg [dreg:$0x0]  }
0x2: {  	s2 =	rddreg [dreg:$0x1]  }
0x3: {  	s3 =	rddreg [dreg:$0x2]  }
0x4: {  	s1 =	srdreg.scid;
	s7 =	stileid.u32;
	s4 =	simm.s32 $0x0  }
0x5: {  	s12 =	simm.s32 $0x80;
	s13 =	simm.s32 $0x3500;
	s14 =	simm.s32 $0x7500  }
0x6: {  	s16 =	simm.s32 $0xB500;
	s18 =	simm.s32 $0xF500;
	s20 =	simm.s32 $0x13500  }
0x7: {  	s22 =	simm.s32 $0x17500;
	s23 =	simm.s32 $0x1;
	s24 =	simm.s32 $0x2  }
0x8: {  	s25 =	simm.s32 $0x4;
	s26 =	simm.s32 $0x3;
	s28 =	simm.s32 $0x3400  }
0x9: {  	s29 =	simm.s32 $0x3480;
	s1 =	sand.u32 $0x1, s1;
	s5 =	sshll.u32 s7, $0x1  }
0xa: {  	s30 =	simm.s32 $0x5;
	s31 =	simm.s32 $0x6;
	s5 =	sor.u32 s1, s5  }
0xb: {  	[smem:$0x7FF] =	sst s4;
	s1 =	ssub.s32 $0x2, s1;
	s6 =	smul.u32 $0x380, s5  }
0xc: {  	s7 =	sshll.u32 s7, $0x8;
	s5 =	smul.u32 $0x320, s5;
	s8 =	sshrl.u32 s1, $0x1  }
0xd: {  	_ =	strace $0x80000047;
	s7 =	sand.u32 $0xE00, s7;
	s1 =	ssub.s32 s1, s8  }
0xe: {  	s6 =	sadd.s32 s6, s0;
	s9 =	sadd.s32 s5, s0;
	s0 =	sadd.s32 s7, s0  }
0xf: {  	s8 =	smax.u32 s1, $0x1;
	s5 =	sadd.s32 $0x400, s6;
	s6 =	sadd.s32 $0x7400, s9  }
0x10: {  	s7 =	sadd.s32 $0xD800, s0;
	s9 =	simm.s32 $0x7;
	s0 =	simm.s32 $0x0  }
.LBB2_1:
0x11: {  	[tilespmem:s4], [sflag:$0x7] =	stream.linear.gather [hbm4b:s5+s4], $0x1900, $0x38;
	[tilespmem:$0x1C500] =	vst v63  }
0x12: {  	_ =	swait.ge [sflag:s9], $0x1900  }
0x13: {  	[sflag:s9] =	ssyncset.done $0x0  }
0x14: {  	s1 =	simm.s32 $0x1C00;
	[sflag:s9] =	ssyncadd.s32 $0xFFFFE700  }
0x15: {  	[tilespmem:s1], [sflag:$0x7] =	stream.linear.gather [hbm4b:s6+s4], $0x1900, $0x38;
	[tilespmem:$0x1C500] =	vst v63  }
0x16: {  	_ =	swait.ge [sflag:s9], $0x1900  }
0x17: {  	[sflag:s9] =	ssyncset.done $0x0  }
0x18: {  	s11 =	simm.s32 $0x1B500;
	[sflag:s9] =	ssyncadd.s32 $0xFFFFE700  }
0x19: {  	[tilespmem:s11], [sflag:$0x7] =	stream.linear.gather [hbm4b:s7+s4], $0xC80, $0x38;
	[tilespmem:$0x1C500] =	vst v63  }
0x1a: {  	_ =	swait.ge [sflag:s9], $0xC80  }
0x1b: {  	[sflag:s9] =	ssyncset.done $0x0  }
0x1c: {  	[sflag:s9] =	ssyncadd.s32 $0xFFFFF380  }
0x1d: {  	[tilespmem:s13], [sflag:$0x1] =	stream.indirect.gather [hbm4b:s2+s12], $0x80, s4, s12, $0xb8;
	[tilespmem:$0x1C500] =	vst v63  }
0x1e: {  	_ = 	snop  }
0x1f: {  	[tilespmem:s14], [sflag:$0x1] =	stream.indirect.gather [hbm4b:s2+s12], $0x80, s12, s12, $0xb8;
	[tilespmem:$0x1C500] =	vst v63  }
0x20: {  	s15 =	simm.s32 $0x100  }
0x21: {  	[tilespmem:s16], [sflag:$0x2] =	stream.indirect.gather [hbm4b:s2+s12], $0x80, s15, s12, $0xb8;
	[tilespmem:$0x1C500] =	vst v63  }
0x22: {  	s17 =	simm.s32 $0x180  }
0x23: {  	[tilespmem:s18], [sflag:$0x2] =	stream.indirect.gather [hbm4b:s2+s12], $0x80, s17, s12, $0xb8;
	[tilespmem:$0x1C500] =	vst v63  }
0x24: {  	s19 =	simm.s32 $0x200  }
0x25: {  	[tilespmem:s20], [sflag:$0x3] =	stream.indirect.gather [hbm4b:s2+s12], $0x80, s19, s12, $0xb8;
	[tilespmem:$0x1C500] =	vst v63  }
0x26: {  	s21 =	simm.s32 $0x280;
	s1 =	simm.s32 $0x0  }
0x27: {  	[tilespmem:s22], [sflag:$0x3] =	stream.indirect.gather [hbm4b:s2+s12], $0x80, s21, s12, $0xb8;
	[tilespmem:$0x1C500] =	vst v63  }
.LBB2_2:
0x28: {  	_ =	swait.ge [sflag:s23], $0x4000  }
0x29: {  	[sflag:s23] =	ssyncset.done $0x0  }
0x2a: {  	[sflag:s23] =	ssyncadd.s32 $0xFFFFC000  }
0x2b: {  	s10 =	smul.u32 $0x600, s1;
	_ =	swait.ge [sflag:s23], $0x4000  }
0x2c: {  	[sflag:s23] =	ssyncset.done $0x0  }
0x2d: {  	s10 =	sshra.s32 s10, $0x2;
	[sflag:s23] =	ssyncadd.s32 $0xFFFFC000  }
0x2e: {  	v0 =	vld [tilespmem:s10+$0x1B500]  }
0x2f: {  	v5 =	vld [tilespmem:s10+$0x1B510]  }
0x30: {  	v6 =	vld [tilespmem:s10+$0x1B520]  }
0x31: {  	v4 =	vld [tilespmem:s10+$0x1B530]  }
0x32: {  	v3 =	vld [tilespmem:s10+$0x1B540]  }
0x33: {  	v2 =	vld [tilespmem:s10+$0x1B550]  }
0x34: {  	v1 =	vld [tilespmem:s10+$0x1B560]  }
0x35: {  	s11 =	simm.s32 $0x3600;
	v7 =	vld [tilespmem:s10+$0x1B570]  }
0x36: {  	v8 =	vld [tilespmem:s11+$0xF0]  }
0x37: {  	v9 =	vld [tilespmem:s11+$0xFFFFFF10]  }
0x38: {  	v10 =	vld [tilespmem:s11+$0xFFFFFF20]  }
0x39: {  	v11 =	vld [tilespmem:s11+$0xFFFFFF30]  }
0x3a: {  	v14 =	vld [tilespmem:s11+$0xFFFFFF60]  }
0x3b: {  	v12 =	vld [tilespmem:s11+$0xFFFFFF40]  }
0x3c: {  	v13 =	vld [tilespmem:s11+$0xFFFFFF50];
	v8 =	vadd.f32 v8, v7  }
0x3d: {  	v16 =	vld [tilespmem:s11+$0xFFFFFF80];
	v9 =	vadd.f32 v9, v5  }
0x3e: {  	v15 =	vld [tilespmem:s11+$0xFFFFFF70];
	v10 =	vadd.f32 v10, v6;
	[tilespmem:s11+$0xF0] =	vst v8  }
0x3f: {  	v62 =	vld [tilespmem:s11+$0xFFFFFFD0];
	v14 =	vadd.f32 v14, v1;
	[tilespmem:s11+$0xFFFFFF10] =	vst v9  }
0x40: {  	v8 =	vld [tilespmem:s11+$0xFFFFFF90];
	[tilespmem:s11+$0xFFFFFF20] =	vst v10;
	v10 =	vadd.f32 v12, v3  }
0x41: {  	v9 =	vadd.f32 v11, v4;
	[tilespmem:s11+$0xFFFFFF60] =	vst v14;
	v14 =	vld [tilespmem:s11+$0xFFFFFFF0]  }
0x42: {  	v11 =	vld [tilespmem:s11+$0xFFFFFFA0];
	[tilespmem:s11+$0xFFFFFF40] =	vst v10;
	v10 =	vadd.f32 v16, v0  }
0x43: {  	v12 =	vld [tilespmem:s11+$0xFFFFFFB0];
	[tilespmem:s11+$0xFFFFFF30] =	vst v9;
	v9 =	vadd.f32 v13, v2  }
0x44: {  	v13 =	vld [tilespmem:s11+$0xFFFFFFC0];
	[tilespmem:s11+$0xFFFFFF80] =	vst v10;
	v10 =	vadd.f32 v15, v7  }
0x45: {  	[tilespmem:s11+$0xFFFFFF50] =	vst v9;
	v9 =	vld [tilespmem:s11+$0xFFFFFFE0];
	v8 =	vadd.f32 v8, v5  }
0x46: {  	v15 =	vld [tilespmem:s11+$0x30];
	v14 =	vadd.f32 v14, v7;
	[tilespmem:s11+$0xFFFFFF70] =	vst v10  }
0x47: {  	v10 =	vadd.f32 v11, v6;
	v11 =	vld [tilespmem:s11+$0x0];
	[tilespmem:s11+$0xFFFFFF90] =	vst v8  }
0x48: {  	v8 =	vadd.f32 v12, v4;
	v12 =	vld [tilespmem:s11+$0x10];
	[tilespmem:s11+$0xFFFFFFF0] =	vst v14  }
0x49: {  	[tilespmem:s11+$0xFFFFFFA0] =	vst v10;
	v10 =	vadd.f32 v13, v3;
	v13 =	vld [tilespmem:s11+$0x20]  }
0x4a: {  	v14 =	vld [tilespmem:s11+$0x80];
	[tilespmem:s11+$0xFFFFFFB0] =	vst v8;
	v8 =	vadd.f32 v62, v2  }
0x4b: {  	v9 =	vadd.f32 v9, v1;
	[tilespmem:s11+$0xFFFFFFC0] =	vst v10;
	v10 =	vld [tilespmem:s11+$0x40]  }
0x4c: {  	[tilespmem:s11+$0xFFFFFFD0] =	vst v8;
	v8 =	vadd.f32 v11, v0  }
0x4d: {  	v11 =	vld [tilespmem:s11+$0x50];
	[tilespmem:s11+$0xFFFFFFE0] =	vst v9;
	v12 =	vadd.f32 v12, v5  }
0x4e: {  	v9 =	vld [tilespmem:s11+$0x60];
	[tilespmem:s11+$0x0] =	vst v8;
	v8 =	vadd.f32 v13, v6  }
0x4f: {  	v14 =	vadd.f32 v14, v0;
	v13 =	vld [tilespmem:s11+$0x70];
	[tilespmem:s11+$0x10] =	vst v12  }
0x50: {  	v12 =	vadd.f32 v15, v4;
	v15 =	vld [tilespmem:s11+$0x90];
	[tilespmem:s11+$0x20] =	vst v8;
	v8 =	vadd.f32 v10, v3  }
0x51: {  	v63 =	vld [tilespmem:s11+$0xA0];
	[tilespmem:s11+$0x80] =	vst v14  }
0x52: {  	v10 =	vadd.f32 v11, v2;
	[tilespmem:s11+$0x40] =	vst v8;
	v8 =	vld [tilespmem:s11+$0xB0]  }
0x53: {  	[tilespmem:s11+$0x30] =	vst v12;
	v11 =	vadd.f32 v9, v1;
	v9 =	vld [tilespmem:s11+$0xC0]  }
0x54: {  	[tilespmem:s11+$0x50] =	vst v10;
	v12 =	vadd.f32 v13, v7;
	v10 =	vld [tilespmem:s11+$0xD0]  }
0x55: {  	[tilespmem:s11+$0x60] =	vst v11;
	v11 =	vld [tilespmem:s11+$0xE0];
	v13 =	vadd.f32 v15, v5  }
0x56: {  	s15 =	simm.s32 $0x3800;
	s10 =	simm.s32 $0x0;
	v14 =	vadd.f32 v63, v6;
	[tilespmem:s11+$0x70] =	vst v12;
	v12 =	vld [tilespmem:s11+$0xFFFFFF00]  }
.LBB2_3:
0x57: {  	v15 =	vld [tilespmem:s15+$0xF0];
	s10 =	sadd.s32 $0x4, s10;
	[tilespmem:s11+$0x90] =	vst v13;
	v8 =	vadd.f32 v8, v4  }
0x58: {  	v13 =	vld [tilespmem:s15+$0xFFFFFF10];
	p0 =	slt.u32 s10, $0xFC;
	[tilespmem:s11+$0xA0] =	vst v14;
	v9 =	vadd.f32 v9, v3  }
0x59: {  	v14 =	vld [tilespmem:s15+$0xFFFFFF20];
	[tilespmem:s11+$0xB0] =	vst v8;
	v8 =	vadd.f32 v10, v2  }
0x5a: {  	v10 =	vld [tilespmem:s15+$0xFFFFFF30];
	[tilespmem:s11+$0xC0] =	vst v9;
	v9 =	vadd.f32 v11, v1  }
0x5b: {  	v11 =	vld [tilespmem:s15+$0xFFFFFF40];
	v12 =	vadd.f32 v12, v0;
	[tilespmem:s11+$0xD0] =	vst v8  }
0x5c: {  	v8 =	vld [tilespmem:s15+$0xFFFFFF50];
	v15 =	vadd.f32 v15, v7;
	[tilespmem:s11+$0xE0] =	vst v9  }
0x5d: {  	v9 =	vadd.f32 v13, v5;
	v13 =	vld [tilespmem:s15+$0xFFFFFF60];
	[tilespmem:s11+$0xFFFFFF00] =	vst v12;
	s11 =	smov.u32 s15  }
0x5e: {  	v12 =	vadd.f32 v14, v6;
	v14 =	vld [tilespmem:s15+$0xFFFFFF70];
	[tilespmem:s15+$0xF0] =	vst v15  }
0x5f: {  	[tilespmem:s15+$0xFFFFFF10] =	vst v9;
	v9 =	vadd.f32 v10, v4;
	v10 =	vld [tilespmem:s15+$0xFFFFFF80]  }
0x60: {  	[tilespmem:s15+$0xFFFFFF20] =	vst v12;
	v11 =	vadd.f32 v11, v3;
	v12 =	vld [tilespmem:s15+$0xFFFFFF90]  }
0x61: {  	[tilespmem:s15+$0xFFFFFF30] =	vst v9;
	v8 =	vadd.f32 v8, v2;
	v9 =	vld [tilespmem:s15+$0xFFFFFFA0]  }
0x62: {  	[tilespmem:s15+$0xFFFFFF40] =	vst v11;
	v11 =	vadd.f32 v13, v1;
	v13 =	vld [tilespmem:s15+$0xFFFFFFB0]  }
0x63: {  	[tilespmem:s15+$0xFFFFFF50] =	vst v8;
	v8 =	vadd.f32 v14, v7;
	v14 =	vld [tilespmem:s15+$0xFFFFFFC0]  }
0x64: {  	[tilespmem:s15+$0xFFFFFF60] =	vst v11;
	v10 =	vadd.f32 v10, v0;
	v11 =	vld [tilespmem:s15+$0xFFFFFFD0]  }
0x65: {  	[tilespmem:s15+$0xFFFFFF70] =	vst v8;
	v8 =	vadd.f32 v12, v5;
	v12 =	vld [tilespmem:s15+$0xFFFFFFE0]  }
0x66: {  	[tilespmem:s15+$0xFFFFFF80] =	vst v10;
	v9 =	vadd.f32 v9, v6;
	v10 =	vld [tilespmem:s15+$0xFFFFFFF0]  }
0x67: {  	[tilespmem:s15+$0xFFFFFF90] =	vst v8;
	v8 =	vadd.f32 v13, v4;
	v13 =	vld [tilespmem:s15+$0x0]  }
0x68: {  	[tilespmem:s15+$0xFFFFFFA0] =	vst v9;
	v9 =	vadd.f32 v14, v3;
	v14 =	vld [tilespmem:s15+$0x10]  }
0x69: {  	[tilespmem:s15+$0xFFFFFFB0] =	vst v8;
	v8 =	vadd.f32 v11, v2;
	v11 =	vld [tilespmem:s15+$0x20]  }
0x6a: {  	[tilespmem:s15+$0xFFFFFFC0] =	vst v9;
	v9 =	vadd.f32 v12, v1;
	v12 =	vld [tilespmem:s15+$0x30]  }
0x6b: {  	[tilespmem:s15+$0xFFFFFFD0] =	vst v8;
	v8 =	vadd.f32 v10, v7;
	v10 =	vld [tilespmem:s15+$0x40]  }
0x6c: {  	[tilespmem:s15+$0xFFFFFFE0] =	vst v9;
	v9 =	vadd.f32 v13, v0;
	v13 =	vld [tilespmem:s15+$0x50]  }
0x6d: {  	[tilespmem:s15+$0xFFFFFFF0] =	vst v8;
	v8 =	vadd.f32 v14, v5;
	v14 =	vld [tilespmem:s15+$0x60]  }
0x6e: {  	[tilespmem:s15+$0x0] =	vst v9;
	v9 =	vadd.f32 v11, v6;
	v11 =	vld [tilespmem:s15+$0x70]  }
0x6f: {  	[tilespmem:s15+$0x10] =	vst v8;
	v8 =	vadd.f32 v12, v4;
	v12 =	vld [tilespmem:s15+$0x80]  }
0x70: {  	[tilespmem:s15+$0x20] =	vst v9;
	v9 =	vadd.f32 v10, v3;
	v15 =	vld [tilespmem:s15+$0x90]  }
0x71: {  	[tilespmem:s15+$0x30] =	vst v8;
	v10 =	vadd.f32 v13, v2;
	v16 =	vld [tilespmem:s15+$0xA0]  }
.Ltmp0:
0x72: {  	[tilespmem:s15+$0x40] =	vst v9;
	v13 =	vadd.f32 v14, v1;
	v8 =	vld [tilespmem:s15+$0xB0];
	(pc) =	sbr.rel @p0 .LBB2_3-.Ltmp0, $4  }
0x73: {  	[tilespmem:s15+$0x50] =	vst v10;
	v11 =	vadd.f32 v11, v7;
	v9 =	vld [tilespmem:s15+$0xC0]  }
0x74: {  	[tilespmem:s15+$0x60] =	vst v13;
	v14 =	vadd.f32 v12, v0;
	v10 =	vld [tilespmem:s15+$0xD0]  }
0x75: {  	[tilespmem:s15+$0x70] =	vst v11;
	v13 =	vadd.f32 v15, v5;
	v11 =	vld [tilespmem:s15+$0xE0]  }
0x76: {  	s15 =	sadd.s32 $0x200, s15;
	v12 =	vld [tilespmem:s11+$0xFFFFFF00];
	[tilespmem:s11+$0x80] =	vst v14;
	v14 =	vadd.f32 v16, v6  }
0x77: {  	[tilespmem:s11+$0x90] =	vst v13;
	v4 =	vadd.f32 v8, v4  }
0x78: {  	[tilespmem:s11+$0xA0] =	vst v14;
	v3 =	vadd.f32 v9, v3  }
0x79: {  	[tilespmem:s11+$0xB0] =	vst v4;
	v2 =	vadd.f32 v10, v2  }
0x7a: {  	s10 =	smul.u32 $0xC00, s1;
	[tilespmem:s11+$0xC0] =	vst v3;
	v1 =	vadd.f32 v11, v1  }
0x7b: {  	v0 =	vadd.f32 v12, v0;
	[tilespmem:s11+$0xD0] =	vst v2  }
0x7c: {  	s10 =	sshra.s32 s10, $0x2;
	[tilespmem:s11+$0xE0] =	vst v1  }
0x7d: {  	p0 =	seq.s32 s1, $0x0;
	s19 =	sadd.s32 $0x1C00, s10;
	[tilespmem:s11+$0xFFFFFF00] =	vst v0  }
0x7e: {  	[hbm4b:s3+s12] =	stream.indirect.scatter [tilespmem:s13], [sflag:$0x4], $0x80, s19, s12, $0xb8;
	[tilespmem:$0x1C500] =	vst v63  }
0x7f: {  	s15 =	simm.s32 @!p0 $0x6;
	s21 =	sadd.s32 $0x1C80, s10  }
0x80: {  	[hbm4b:s3+s12] =	stream.indirect.scatter [tilespmem:s14], [sflag:$0x4], $0x80, s21, s12, $0xb8;
	[tilespmem:$0x1C500] =	vst v63  }
0x81: {  	_ =	swait.ge @!p0 [sflag:s15], $0x4000  }
0x82: {  	[sflag:s15] =	ssyncset.done @!p0 $0x0  }
0x83: {  	s17 =	smul.u32 $0x3, s1;
	[sflag:s15] =	ssyncadd.s32 @!p0 $0xFFFFC000  }
0x84: {  	_ =	swait.ge @!p0 [sflag:s15], $0x4000  }
0x85: {  	s11 =	sadd.s32 $0x2, s17;
	[sflag:s15] =	ssyncset.done @!p0 $0x0  }
0x86: {  	[sflag:s15] =	ssyncadd.s32 @!p0 $0xFFFFC000;
	s15 =	sshll.u32 @!p0 s11, $0x8  }
0x87: {  	s19 =	simm.s32 @!p0 $0x80;
	s21 =	simm.s32 @!p0 $0x13500;
	s15 =	sand.u32 @!p0 $0x3FFFFF00, s15  }
0x88: {  	[tilespmem:s21], [sflag:$0x3] =	stream.indirect.gather @!p0 [hbm4b:s2+s19], $0x80, s15, s19, $0xb8;
	[tilespmem:$0x1C500] =	vst v63  }
0x89: {  	s15 =	sor.u32 @!p0 $0x80, s15;
	s21 =	simm.s32 @!p0 $0x17500  }
0x8a: {  	[tilespmem:s21], [sflag:$0x3] =	stream.indirect.gather @!p0 [hbm4b:s2+s19], $0x80, s15, s19, $0xb8;
	[tilespmem:$0x1C500] =	vst v63  }
0x8b: {  	_ =	swait.ge [sflag:s24], $0x4000  }
0x8c: {  	[sflag:s24] =	ssyncset.done $0x0  }
0x8d: {  	[sflag:s24] =	ssyncadd.s32 $0xFFFFC000  }
0x8e: {  	s15 =	sadd.s32 $0x1, s17;
	_ =	swait.ge [sflag:s24], $0x4000  }
0x8f: {  	s17 =	sshll.u32 s15, $0x7;
	[sflag:s24] =	ssyncset.done $0x0  }
0x90: {  	s17 =	sand.u32 $0x3FFFFF80, s17;
	[sflag:s24] =	ssyncadd.s32 $0xFFFFC000  }
0x91: {  	v0 =	vld [tilespmem:s17+$0x1B500]  }
0x92: {  	v5 =	vld [tilespmem:s17+$0x1B510]  }
0x93: {  	v6 =	vld [tilespmem:s17+$0x1B520]  }
0x94: {  	v4 =	vld [tilespmem:s17+$0x1B530]  }
0x95: {  	v3 =	vld [tilespmem:s17+$0x1B540]  }
0x96: {  	v2 =	vld [tilespmem:s17+$0x1B550]  }
0x97: {  	v1 =	vld [tilespmem:s17+$0x1B560]  }
0x98: {  	v7 =	vld [tilespmem:s17+$0x1B570];
	s17 =	simm.s32 $0xB600  }
0x99: {  	v8 =	vld [tilespmem:s17+$0xF0]  }
0x9a: {  	v9 =	vld [tilespmem:s17+$0xFFFFFF10]  }
0x9b: {  	v10 =	vld [tilespmem:s17+$0xFFFFFF20]  }
0x9c: {  	v11 =	vld [tilespmem:s17+$0xFFFFFF30]  }
0x9d: {  	v14 =	vld [tilespmem:s17+$0xFFFFFF60]  }
0x9e: {  	v12 =	vld [tilespmem:s17+$0xFFFFFF40]  }
0x9f: {  	v13 =	vld [tilespmem:s17+$0xFFFFFF50];
	v8 =	vadd.f32 v8, v7  }
0xa0: {  	v16 =	vld [tilespmem:s17+$0xFFFFFF80];
	v9 =	vadd.f32 v9, v5  }
0xa1: {  	v15 =	vld [tilespmem:s17+$0xFFFFFF70];
	v10 =	vadd.f32 v10, v6;
	[tilespmem:s17+$0xF0] =	vst v8  }
0xa2: {  	v62 =	vld [tilespmem:s17+$0xFFFFFFD0];
	v14 =	vadd.f32 v14, v1;
	[tilespmem:s17+$0xFFFFFF10] =	vst v9  }
0xa3: {  	v8 =	vld [tilespmem:s17+$0xFFFFFF90];
	[tilespmem:s17+$0xFFFFFF20] =	vst v10;
	v10 =	vadd.f32 v12, v3  }
0xa4: {  	v9 =	vadd.f32 v11, v4;
	[tilespmem:s17+$0xFFFFFF60] =	vst v14;
	v14 =	vld [tilespmem:s17+$0xFFFFFFF0]  }
0xa5: {  	v11 =	vld [tilespmem:s17+$0xFFFFFFA0];
	[tilespmem:s17+$0xFFFFFF40] =	vst v10;
	v10 =	vadd.f32 v16, v0  }
0xa6: {  	v12 =	vld [tilespmem:s17+$0xFFFFFFB0];
	[tilespmem:s17+$0xFFFFFF30] =	vst v9;
	v9 =	vadd.f32 v13, v2  }
0xa7: {  	v13 =	vld [tilespmem:s17+$0xFFFFFFC0];
	[tilespmem:s17+$0xFFFFFF80] =	vst v10;
	v10 =	vadd.f32 v15, v7  }
0xa8: {  	[tilespmem:s17+$0xFFFFFF50] =	vst v9;
	v9 =	vld [tilespmem:s17+$0xFFFFFFE0];
	v8 =	vadd.f32 v8, v5  }
0xa9: {  	v15 =	vld [tilespmem:s17+$0x30];
	v14 =	vadd.f32 v14, v7;
	[tilespmem:s17+$0xFFFFFF70] =	vst v10  }
0xaa: {  	v10 =	vadd.f32 v11, v6;
	v11 =	vld [tilespmem:s17+$0x0];
	[tilespmem:s17+$0xFFFFFF90] =	vst v8  }
0xab: {  	v8 =	vadd.f32 v12, v4;
	v12 =	vld [tilespmem:s17+$0x10];
	[tilespmem:s17+$0xFFFFFFF0] =	vst v14  }
0xac: {  	[tilespmem:s17+$0xFFFFFFA0] =	vst v10;
	v10 =	vadd.f32 v13, v3;
	v13 =	vld [tilespmem:s17+$0x20]  }
0xad: {  	v14 =	vld [tilespmem:s17+$0x80];
	[tilespmem:s17+$0xFFFFFFB0] =	vst v8;
	v8 =	vadd.f32 v62, v2  }
0xae: {  	v9 =	vadd.f32 v9, v1;
	[tilespmem:s17+$0xFFFFFFC0] =	vst v10;
	v10 =	vld [tilespmem:s17+$0x40]  }
0xaf: {  	[tilespmem:s17+$0xFFFFFFD0] =	vst v8;
	v8 =	vadd.f32 v11, v0  }
0xb0: {  	v11 =	vld [tilespmem:s17+$0x50];
	[tilespmem:s17+$0xFFFFFFE0] =	vst v9;
	v12 =	vadd.f32 v12, v5  }
0xb1: {  	v9 =	vld [tilespmem:s17+$0x60];
	[tilespmem:s17+$0x0] =	vst v8;
	v8 =	vadd.f32 v13, v6  }
0xb2: {  	v14 =	vadd.f32 v14, v0;
	v13 =	vld [tilespmem:s17+$0x70];
	[tilespmem:s17+$0x10] =	vst v12  }
0xb3: {  	v12 =	vadd.f32 v15, v4;
	v15 =	vld [tilespmem:s17+$0x90];
	[tilespmem:s17+$0x20] =	vst v8;
	v8 =	vadd.f32 v10, v3  }
0xb4: {  	v63 =	vld [tilespmem:s17+$0xA0];
	[tilespmem:s17+$0x80] =	vst v14  }
0xb5: {  	v10 =	vadd.f32 v11, v2;
	[tilespmem:s17+$0x40] =	vst v8;
	v8 =	vld [tilespmem:s17+$0xB0]  }
0xb6: {  	[tilespmem:s17+$0x30] =	vst v12;
	v11 =	vadd.f32 v9, v1;
	v9 =	vld [tilespmem:s17+$0xC0]  }
0xb7: {  	[tilespmem:s17+$0x50] =	vst v10;
	v12 =	vadd.f32 v13, v7;
	v10 =	vld [tilespmem:s17+$0xD0]  }
0xb8: {  	[tilespmem:s17+$0x60] =	vst v11;
	v11 =	vld [tilespmem:s17+$0xE0];
	v13 =	vadd.f32 v15, v5  }
0xb9: {  	s19 =	simm.s32 $0x0;
	s21 =	simm.s32 $0xB800;
	v14 =	vadd.f32 v63, v6;
	[tilespmem:s17+$0x70] =	vst v12;
	v12 =	vld [tilespmem:s17+$0xFFFFFF00]  }
.LBB2_5:
0xba: {  	v15 =	vld [tilespmem:s21+$0xF0];
	s19 =	sadd.s32 $0x4, s19;
	[tilespmem:s17+$0x90] =	vst v13;
	v8 =	vadd.f32 v8, v4  }
0xbb: {  	v13 =	vld [tilespmem:s21+$0xFFFFFF10];
	p0 =	slt.u32 s19, $0xFC;
	[tilespmem:s17+$0xA0] =	vst v14;
	v9 =	vadd.f32 v9, v3  }
0xbc: {  	v14 =	vld [tilespmem:s21+$0xFFFFFF20];
	[tilespmem:s17+$0xB0] =	vst v8;
	v8 =	vadd.f32 v10, v2  }
0xbd: {  	v10 =	vld [tilespmem:s21+$0xFFFFFF30];
	[tilespmem:s17+$0xC0] =	vst v9;
	v9 =	vadd.f32 v11, v1  }
0xbe: {  	v11 =	vld [tilespmem:s21+$0xFFFFFF40];
	v12 =	vadd.f32 v12, v0;
	[tilespmem:s17+$0xD0] =	vst v8  }
0xbf: {  	v8 =	vld [tilespmem:s21+$0xFFFFFF50];
	v15 =	vadd.f32 v15, v7;
	[tilespmem:s17+$0xE0] =	vst v9  }
0xc0: {  	v9 =	vadd.f32 v13, v5;
	v13 =	vld [tilespmem:s21+$0xFFFFFF60];
	[tilespmem:s17+$0xFFFFFF00] =	vst v12;
	s17 =	smov.u32 s21  }
0xc1: {  	v12 =	vadd.f32 v14, v6;
	v14 =	vld [tilespmem:s21+$0xFFFFFF70];
	[tilespmem:s21+$0xF0] =	vst v15  }
0xc2: {  	[tilespmem:s21+$0xFFFFFF10] =	vst v9;
	v9 =	vadd.f32 v10, v4;
	v10 =	vld [tilespmem:s21+$0xFFFFFF80]  }
0xc3: {  	[tilespmem:s21+$0xFFFFFF20] =	vst v12;
	v11 =	vadd.f32 v11, v3;
	v12 =	vld [tilespmem:s21+$0xFFFFFF90]  }
0xc4: {  	[tilespmem:s21+$0xFFFFFF30] =	vst v9;
	v8 =	vadd.f32 v8, v2;
	v9 =	vld [tilespmem:s21+$0xFFFFFFA0]  }
0xc5: {  	[tilespmem:s21+$0xFFFFFF40] =	vst v11;
	v11 =	vadd.f32 v13, v1;
	v13 =	vld [tilespmem:s21+$0xFFFFFFB0]  }
0xc6: {  	[tilespmem:s21+$0xFFFFFF50] =	vst v8;
	v8 =	vadd.f32 v14, v7;
	v14 =	vld [tilespmem:s21+$0xFFFFFFC0]  }
0xc7: {  	[tilespmem:s21+$0xFFFFFF60] =	vst v11;
	v10 =	vadd.f32 v10, v0;
	v11 =	vld [tilespmem:s21+$0xFFFFFFD0]  }
0xc8: {  	[tilespmem:s21+$0xFFFFFF70] =	vst v8;
	v8 =	vadd.f32 v12, v5;
	v12 =	vld [tilespmem:s21+$0xFFFFFFE0]  }
0xc9: {  	[tilespmem:s21+$0xFFFFFF80] =	vst v10;
	v9 =	vadd.f32 v9, v6;
	v10 =	vld [tilespmem:s21+$0xFFFFFFF0]  }
0xca: {  	[tilespmem:s21+$0xFFFFFF90] =	vst v8;
	v8 =	vadd.f32 v13, v4;
	v13 =	vld [tilespmem:s21+$0x0]  }
0xcb: {  	[tilespmem:s21+$0xFFFFFFA0] =	vst v9;
	v9 =	vadd.f32 v14, v3;
	v14 =	vld [tilespmem:s21+$0x10]  }
0xcc: {  	[tilespmem:s21+$0xFFFFFFB0] =	vst v8;
	v8 =	vadd.f32 v11, v2;
	v11 =	vld [tilespmem:s21+$0x20]  }
0xcd: {  	[tilespmem:s21+$0xFFFFFFC0] =	vst v9;
	v9 =	vadd.f32 v12, v1;
	v12 =	vld [tilespmem:s21+$0x30]  }
0xce: {  	[tilespmem:s21+$0xFFFFFFD0] =	vst v8;
	v8 =	vadd.f32 v10, v7;
	v10 =	vld [tilespmem:s21+$0x40]  }
0xcf: {  	[tilespmem:s21+$0xFFFFFFE0] =	vst v9;
	v9 =	vadd.f32 v13, v0;
	v13 =	vld [tilespmem:s21+$0x50]  }
0xd0: {  	[tilespmem:s21+$0xFFFFFFF0] =	vst v8;
	v8 =	vadd.f32 v14, v5;
	v14 =	vld [tilespmem:s21+$0x60]  }
0xd1: {  	[tilespmem:s21+$0x0] =	vst v9;
	v9 =	vadd.f32 v11, v6;
	v11 =	vld [tilespmem:s21+$0x70]  }
0xd2: {  	[tilespmem:s21+$0x10] =	vst v8;
	v8 =	vadd.f32 v12, v4;
	v12 =	vld [tilespmem:s21+$0x80]  }
0xd3: {  	[tilespmem:s21+$0x20] =	vst v9;
	v9 =	vadd.f32 v10, v3;
	v15 =	vld [tilespmem:s21+$0x90]  }
0xd4: {  	[tilespmem:s21+$0x30] =	vst v8;
	v10 =	vadd.f32 v13, v2;
	v16 =	vld [tilespmem:s21+$0xA0]  }
.Ltmp1:
0xd5: {  	[tilespmem:s21+$0x40] =	vst v9;
	v13 =	vadd.f32 v14, v1;
	v8 =	vld [tilespmem:s21+$0xB0];
	(pc) =	sbr.rel @p0 .LBB2_5-.Ltmp1, $4  }
0xd6: {  	[tilespmem:s21+$0x50] =	vst v10;
	v11 =	vadd.f32 v11, v7;
	v9 =	vld [tilespmem:s21+$0xC0]  }
0xd7: {  	[tilespmem:s21+$0x60] =	vst v13;
	v14 =	vadd.f32 v12, v0;
	v10 =	vld [tilespmem:s21+$0xD0]  }
0xd8: {  	[tilespmem:s21+$0x70] =	vst v11;
	v13 =	vadd.f32 v15, v5;
	v11 =	vld [tilespmem:s21+$0xE0]  }
0xd9: {  	s21 =	sadd.s32 $0x200, s21;
	v12 =	vld [tilespmem:s17+$0xFFFFFF00];
	[tilespmem:s17+$0x80] =	vst v14;
	v14 =	vadd.f32 v16, v6  }
0xda: {  	[tilespmem:s17+$0x90] =	vst v13;
	v4 =	vadd.f32 v8, v4  }
0xdb: {  	[tilespmem:s17+$0xA0] =	vst v14;
	v3 =	vadd.f32 v9, v3  }
0xdc: {  	[tilespmem:s17+$0xB0] =	vst v4;
	v2 =	vadd.f32 v10, v2  }
0xdd: {  	[tilespmem:s17+$0xC0] =	vst v3;
	v1 =	vadd.f32 v11, v1  }
0xde: {  	s15 =	sshll.u32 s15, $0x8;
	v0 =	vadd.f32 v12, v0;
	[tilespmem:s17+$0xD0] =	vst v2  }
0xdf: {  	s15 =	sand.u32 $0x3FFFFF00, s15;
	[tilespmem:s17+$0xE0] =	vst v1  }
0xe0: {  	s21 =	sadd.s32 $0x1C00, s15;
	[tilespmem:s17+$0xFFFFFF00] =	vst v0  }
0xe1: {  	[hbm4b:s3+s12] =	stream.indirect.scatter [tilespmem:s16], [sflag:$0x5], $0x80, s21, s12, $0xb8;
	[tilespmem:$0x1C500] =	vst v63  }
0xe2: {  	s15 =	sadd.s32 $0x1C80, s15  }
0xe3: {  	[hbm4b:s3+s12] =	stream.indirect.scatter [tilespmem:s18], [sflag:$0x5], $0x80, s15, s12, $0xb8;
	[tilespmem:$0x1C500] =	vst v63  }
0xe4: {  	_ =	swait.ge [sflag:s25], $0x4000  }
0xe5: {  	[sflag:s25] =	ssyncset.done $0x0  }
0xe6: {  	[sflag:s25] =	ssyncadd.s32 $0xFFFFC000  }
0xe7: {  	_ =	swait.ge [sflag:s25], $0x4000  }
0xe8: {  	[sflag:s25] =	ssyncset.done $0x0  }
0xe9: {  	s17 =	sadd.s32 $0x300, s10;
	[sflag:s25] =	ssyncadd.s32 $0xFFFFC000  }
0xea: {  	[tilespmem:s13], [sflag:$0x1] =	stream.indirect.gather [hbm4b:s2+s12], $0x80, s17, s12, $0xb8;
	[tilespmem:$0x1C500] =	vst v63  }
0xeb: {  	s19 =	sadd.s32 $0x380, s10  }
0xec: {  	[tilespmem:s14], [sflag:$0x1] =	stream.indirect.gather [hbm4b:s2+s12], $0x80, s19, s12, $0xb8;
	[tilespmem:$0x1C500] =	vst v63  }
0xed: {  	_ =	swait.ge [sflag:s26], $0x4000  }
0xee: {  	[sflag:s26] =	ssyncset.done $0x0  }
0xef: {  	[sflag:s26] =	ssyncadd.s32 $0xFFFFC000  }
0xf0: {  	_ =	swait.ge [sflag:s26], $0x4000  }
0xf1: {  	s21 =	sshll.u32 s11, $0x7;
	[sflag:s26] =	ssyncset.done $0x0  }
0xf2: {  	s15 =	sand.u32 $0x3FFFFF80, s21;
	[sflag:s26] =	ssyncadd.s32 $0xFFFFC000  }
0xf3: {  	v0 =	vld [tilespmem:s15+$0x1B500]  }
0xf4: {  	v5 =	vld [tilespmem:s15+$0x1B510]  }
0xf5: {  	v6 =	vld [tilespmem:s15+$0x1B520]  }
0xf6: {  	v4 =	vld [tilespmem:s15+$0x1B530]  }
0xf7: {  	v3 =	vld [tilespmem:s15+$0x1B540]  }
0xf8: {  	v2 =	vld [tilespmem:s15+$0x1B550]  }
0xf9: {  	v1 =	vld [tilespmem:s15+$0x1B560]  }
0xfa: {  	v7 =	vld [tilespmem:s15+$0x1B570];
	s15 =	simm.s32 $0x13600  }
0xfb: {  	v8 =	vld [tilespmem:s15+$0xF0]  }
0xfc: {  	v9 =	vld [tilespmem:s15+$0xFFFFFF10]  }
0xfd: {  	v10 =	vld [tilespmem:s15+$0xFFFFFF20]  }
0xfe: {  	v11 =	vld [tilespmem:s15+$0xFFFFFF30]  }
0xff: {  	v14 =	vld [tilespmem:s15+$0xFFFFFF60]  }
0x100: {  	v12 =	vld [tilespmem:s15+$0xFFFFFF40]  }
0x101: {  	v13 =	vld [tilespmem:s15+$0xFFFFFF50];
	v8 =	vadd.f32 v8, v7  }
0x102: {  	v16 =	vld [tilespmem:s15+$0xFFFFFF80];
	v9 =	vadd.f32 v9, v5  }
0x103: {  	v15 =	vld [tilespmem:s15+$0xFFFFFF70];
	v10 =	vadd.f32 v10, v6;
	[tilespmem:s15+$0xF0] =	vst v8  }
0x104: {  	v62 =	vld [tilespmem:s15+$0xFFFFFFD0];
	v14 =	vadd.f32 v14, v1;
	[tilespmem:s15+$0xFFFFFF10] =	vst v9  }
0x105: {  	v8 =	vld [tilespmem:s15+$0xFFFFFF90];
	[tilespmem:s15+$0xFFFFFF20] =	vst v10;
	v10 =	vadd.f32 v12, v3  }
0x106: {  	v9 =	vadd.f32 v11, v4;
	[tilespmem:s15+$0xFFFFFF60] =	vst v14;
	v14 =	vld [tilespmem:s15+$0xFFFFFFF0]  }
0x107: {  	v11 =	vld [tilespmem:s15+$0xFFFFFFA0];
	[tilespmem:s15+$0xFFFFFF40] =	vst v10;
	v10 =	vadd.f32 v16, v0  }
0x108: {  	v12 =	vld [tilespmem:s15+$0xFFFFFFB0];
	[tilespmem:s15+$0xFFFFFF30] =	vst v9;
	v9 =	vadd.f32 v13, v2  }
0x109: {  	v13 =	vld [tilespmem:s15+$0xFFFFFFC0];
	[tilespmem:s15+$0xFFFFFF80] =	vst v10;
	v10 =	vadd.f32 v15, v7  }
0x10a: {  	[tilespmem:s15+$0xFFFFFF50] =	vst v9;
	v9 =	vld [tilespmem:s15+$0xFFFFFFE0];
	v8 =	vadd.f32 v8, v5  }
0x10b: {  	v15 =	vld [tilespmem:s15+$0x30];
	v14 =	vadd.f32 v14, v7;
	[tilespmem:s15+$0xFFFFFF70] =	vst v10  }
0x10c: {  	v10 =	vadd.f32 v11, v6;
	v11 =	vld [tilespmem:s15+$0x0];
	[tilespmem:s15+$0xFFFFFF90] =	vst v8  }
0x10d: {  	v8 =	vadd.f32 v12, v4;
	v12 =	vld [tilespmem:s15+$0x10];
	[tilespmem:s15+$0xFFFFFFF0] =	vst v14  }
0x10e: {  	[tilespmem:s15+$0xFFFFFFA0] =	vst v10;
	v10 =	vadd.f32 v13, v3;
	v13 =	vld [tilespmem:s15+$0x20]  }
0x10f: {  	v14 =	vld [tilespmem:s15+$0x80];
	[tilespmem:s15+$0xFFFFFFB0] =	vst v8;
	v8 =	vadd.f32 v62, v2  }
0x110: {  	v9 =	vadd.f32 v9, v1;
	[tilespmem:s15+$0xFFFFFFC0] =	vst v10;
	v10 =	vld [tilespmem:s15+$0x40]  }
0x111: {  	[tilespmem:s15+$0xFFFFFFD0] =	vst v8;
	v8 =	vadd.f32 v11, v0  }
0x112: {  	v11 =	vld [tilespmem:s15+$0x50];
	[tilespmem:s15+$0xFFFFFFE0] =	vst v9;
	v12 =	vadd.f32 v12, v5  }
0x113: {  	v9 =	vld [tilespmem:s15+$0x60];
	[tilespmem:s15+$0x0] =	vst v8;
	v8 =	vadd.f32 v13, v6  }
0x114: {  	v14 =	vadd.f32 v14, v0;
	v13 =	vld [tilespmem:s15+$0x70];
	[tilespmem:s15+$0x10] =	vst v12  }
0x115: {  	v12 =	vadd.f32 v15, v4;
	v15 =	vld [tilespmem:s15+$0x90];
	[tilespmem:s15+$0x20] =	vst v8;
	v8 =	vadd.f32 v10, v3  }
0x116: {  	v63 =	vld [tilespmem:s15+$0xA0];
	[tilespmem:s15+$0x80] =	vst v14  }
0x117: {  	v10 =	vadd.f32 v11, v2;
	[tilespmem:s15+$0x40] =	vst v8;
	v8 =	vld [tilespmem:s15+$0xB0]  }
0x118: {  	[tilespmem:s15+$0x30] =	vst v12;
	v11 =	vadd.f32 v9, v1;
	v9 =	vld [tilespmem:s15+$0xC0]  }
0x119: {  	[tilespmem:s15+$0x50] =	vst v10;
	v12 =	vadd.f32 v13, v7;
	v10 =	vld [tilespmem:s15+$0xD0]  }
0x11a: {  	[tilespmem:s15+$0x60] =	vst v11;
	v11 =	vld [tilespmem:s15+$0xE0];
	v13 =	vadd.f32 v15, v5  }
0x11b: {  	s17 =	simm.s32 $0x0;
	s19 =	simm.s32 $0x13800;
	v14 =	vadd.f32 v63, v6;
	[tilespmem:s15+$0x70] =	vst v12;
	v12 =	vld [tilespmem:s15+$0xFFFFFF00]  }
.LBB2_7:
0x11c: {  	v15 =	vld [tilespmem:s19+$0xF0];
	s17 =	sadd.s32 $0x4, s17;
	[tilespmem:s15+$0x90] =	vst v13;
	v8 =	vadd.f32 v8, v4  }
0x11d: {  	v13 =	vld [tilespmem:s19+$0xFFFFFF10];
	p0 =	slt.u32 s17, $0xFC;
	[tilespmem:s15+$0xA0] =	vst v14;
	v9 =	vadd.f32 v9, v3  }
0x11e: {  	v14 =	vld [tilespmem:s19+$0xFFFFFF20];
	[tilespmem:s15+$0xB0] =	vst v8;
	v8 =	vadd.f32 v10, v2  }
0x11f: {  	v10 =	vld [tilespmem:s19+$0xFFFFFF30];
	[tilespmem:s15+$0xC0] =	vst v9;
	v9 =	vadd.f32 v11, v1  }
0x120: {  	v11 =	vld [tilespmem:s19+$0xFFFFFF40];
	v12 =	vadd.f32 v12, v0;
	[tilespmem:s15+$0xD0] =	vst v8  }
0x121: {  	v8 =	vld [tilespmem:s19+$0xFFFFFF50];
	v15 =	vadd.f32 v15, v7;
	[tilespmem:s15+$0xE0] =	vst v9  }
0x122: {  	v9 =	vadd.f32 v13, v5;
	v13 =	vld [tilespmem:s19+$0xFFFFFF60];
	[tilespmem:s15+$0xFFFFFF00] =	vst v12;
	s15 =	smov.u32 s19  }
0x123: {  	v12 =	vadd.f32 v14, v6;
	v14 =	vld [tilespmem:s19+$0xFFFFFF70];
	[tilespmem:s19+$0xF0] =	vst v15  }
0x124: {  	[tilespmem:s19+$0xFFFFFF10] =	vst v9;
	v9 =	vadd.f32 v10, v4;
	v10 =	vld [tilespmem:s19+$0xFFFFFF80]  }
0x125: {  	[tilespmem:s19+$0xFFFFFF20] =	vst v12;
	v11 =	vadd.f32 v11, v3;
	v12 =	vld [tilespmem:s19+$0xFFFFFF90]  }
0x126: {  	[tilespmem:s19+$0xFFFFFF30] =	vst v9;
	v8 =	vadd.f32 v8, v2;
	v9 =	vld [tilespmem:s19+$0xFFFFFFA0]  }
0x127: {  	[tilespmem:s19+$0xFFFFFF40] =	vst v11;
	v11 =	vadd.f32 v13, v1;
	v13 =	vld [tilespmem:s19+$0xFFFFFFB0]  }
0x128: {  	[tilespmem:s19+$0xFFFFFF50] =	vst v8;
	v8 =	vadd.f32 v14, v7;
	v14 =	vld [tilespmem:s19+$0xFFFFFFC0]  }
0x129: {  	[tilespmem:s19+$0xFFFFFF60] =	vst v11;
	v10 =	vadd.f32 v10, v0;
	v11 =	vld [tilespmem:s19+$0xFFFFFFD0]  }
0x12a: {  	[tilespmem:s19+$0xFFFFFF70] =	vst v8;
	v8 =	vadd.f32 v12, v5;
	v12 =	vld [tilespmem:s19+$0xFFFFFFE0]  }
0x12b: {  	[tilespmem:s19+$0xFFFFFF80] =	vst v10;
	v9 =	vadd.f32 v9, v6;
	v10 =	vld [tilespmem:s19+$0xFFFFFFF0]  }
0x12c: {  	[tilespmem:s19+$0xFFFFFF90] =	vst v8;
	v8 =	vadd.f32 v13, v4;
	v13 =	vld [tilespmem:s19+$0x0]  }
0x12d: {  	[tilespmem:s19+$0xFFFFFFA0] =	vst v9;
	v9 =	vadd.f32 v14, v3;
	v14 =	vld [tilespmem:s19+$0x10]  }
0x12e: {  	[tilespmem:s19+$0xFFFFFFB0] =	vst v8;
	v8 =	vadd.f32 v11, v2;
	v11 =	vld [tilespmem:s19+$0x20]  }
0x12f: {  	[tilespmem:s19+$0xFFFFFFC0] =	vst v9;
	v9 =	vadd.f32 v12, v1;
	v12 =	vld [tilespmem:s19+$0x30]  }
0x130: {  	[tilespmem:s19+$0xFFFFFFD0] =	vst v8;
	v8 =	vadd.f32 v10, v7;
	v10 =	vld [tilespmem:s19+$0x40]  }
0x131: {  	[tilespmem:s19+$0xFFFFFFE0] =	vst v9;
	v9 =	vadd.f32 v13, v0;
	v13 =	vld [tilespmem:s19+$0x50]  }
0x132: {  	[tilespmem:s19+$0xFFFFFFF0] =	vst v8;
	v8 =	vadd.f32 v14, v5;
	v14 =	vld [tilespmem:s19+$0x60]  }
0x133: {  	[tilespmem:s19+$0x0] =	vst v9;
	v9 =	vadd.f32 v11, v6;
	v11 =	vld [tilespmem:s19+$0x70]  }
0x134: {  	[tilespmem:s19+$0x10] =	vst v8;
	v8 =	vadd.f32 v12, v4;
	v12 =	vld [tilespmem:s19+$0x80]  }
0x135: {  	[tilespmem:s19+$0x20] =	vst v9;
	v9 =	vadd.f32 v10, v3;
	v15 =	vld [tilespmem:s19+$0x90]  }
0x136: {  	[tilespmem:s19+$0x30] =	vst v8;
	v10 =	vadd.f32 v13, v2;
	v16 =	vld [tilespmem:s19+$0xA0]  }
.Ltmp2:
0x137: {  	[tilespmem:s19+$0x40] =	vst v9;
	v13 =	vadd.f32 v14, v1;
	v8 =	vld [tilespmem:s19+$0xB0];
	(pc) =	sbr.rel @p0 .LBB2_7-.Ltmp2, $4  }
0x138: {  	[tilespmem:s19+$0x50] =	vst v10;
	v11 =	vadd.f32 v11, v7;
	v9 =	vld [tilespmem:s19+$0xC0]  }
0x139: {  	[tilespmem:s19+$0x60] =	vst v13;
	v14 =	vadd.f32 v12, v0;
	v10 =	vld [tilespmem:s19+$0xD0]  }
0x13a: {  	[tilespmem:s19+$0x70] =	vst v11;
	v13 =	vadd.f32 v15, v5;
	v11 =	vld [tilespmem:s19+$0xE0]  }
0x13b: {  	s19 =	sadd.s32 $0x200, s19;
	v12 =	vld [tilespmem:s15+$0xFFFFFF00];
	[tilespmem:s15+$0x80] =	vst v14;
	v14 =	vadd.f32 v16, v6  }
0x13c: {  	[tilespmem:s15+$0x90] =	vst v13;
	v4 =	vadd.f32 v8, v4  }
0x13d: {  	[tilespmem:s15+$0xA0] =	vst v14;
	v3 =	vadd.f32 v9, v3  }
0x13e: {  	[tilespmem:s15+$0xB0] =	vst v4;
	v2 =	vadd.f32 v10, v2  }
0x13f: {  	[tilespmem:s15+$0xC0] =	vst v3;
	v1 =	vadd.f32 v11, v1  }
0x140: {  	s11 =	sshll.u32 s11, $0x8;
	p0 =	seq.s32 s1, $0x7;
	v0 =	vadd.f32 v12, v0;
	[tilespmem:s15+$0xD0] =	vst v2  }
.Ltmp3:
0x141: {  	s11 =	sand.u32 $0x3FFFFF00, s11;
	[tilespmem:s15+$0xE0] =	vst v1;
	(pc) =	sbr.rel @p0 .LBB2_10-.Ltmp3, $4  }
0x142: {  	s21 =	sadd.s32 $0x1C00, s11;
	[tilespmem:s15+$0xFFFFFF00] =	vst v0  }
0x143: {  	[hbm4b:s3+s12] =	stream.indirect.scatter [tilespmem:s20], [sflag:$0x6], $0x80, s21, s12, $0xb8;
	[tilespmem:$0x1C500] =	vst v63  }
0x144: {  	s11 =	sadd.s32 $0x1C80, s11  }
0x145: {  	[hbm4b:s3+s12] =	stream.indirect.scatter [tilespmem:s22], [sflag:$0x6], $0x80, s11, s12, $0xb8;
	[tilespmem:$0x1C500] =	vst v63  }
0x146: {  	_ =	swait.ge [sflag:s30], $0x4000  }
0x147: {  	[sflag:s30] =	ssyncset.done $0x0  }
0x148: {  	[sflag:s30] =	ssyncadd.s32 $0xFFFFC000  }
0x149: {  	_ =	swait.ge [sflag:s30], $0x4000  }
.Ltmp4:
0x14a: {  	[sflag:s30] =	ssyncset.done $0x0;
	(pc) =	sbr.rel .LBB2_2-.Ltmp4, $4  }
0x14b: {  	s11 =	sadd.s32 $0x400, s10;
	[sflag:s30] =	ssyncadd.s32 $0xFFFFC000  }
0x14c: {  	[tilespmem:s16], [sflag:$0x2] =	stream.indirect.gather [hbm4b:s2+s12], $0x80, s11, s12, $0xb8;
	[tilespmem:$0x1C500] =	vst v63  }
0x14d: {  	s21 =	sadd.s32 $0x480, s10;
	s1 =	sadd.s32 $0x1, s1  }
0x14e: {  	[tilespmem:s18], [sflag:$0x2] =	stream.indirect.gather [hbm4b:s2+s12], $0x80, s21, s12, $0xb8;
	[tilespmem:$0x1C500] =	vst v63  }
.LBB2_10:
0x14f: {  	_ =	swait.ge [sflag:s23], $0x4000  }
0x150: {  	[sflag:s23] =	ssyncset.done $0x0  }
0x151: {  	[sflag:s23] =	ssyncadd.s32 $0xFFFFC000  }
0x152: {  	_ =	swait.ge [sflag:s23], $0x4000  }
0x153: {  	[sflag:s23] =	ssyncset.done $0x0  }
0x154: {  	[sflag:s23] =	ssyncadd.s32 $0xFFFFC000  }
0x155: {  	v0 =	vld [tilespmem:$0x1C100]  }
0x156: {  	v5 =	vld [tilespmem:$0x1C110]  }
0x157: {  	v6 =	vld [tilespmem:$0x1C120]  }
0x158: {  	v4 =	vld [tilespmem:$0x1C130]  }
0x159: {  	v3 =	vld [tilespmem:$0x1C140]  }
0x15a: {  	v2 =	vld [tilespmem:$0x1C150]  }
0x15b: {  	v1 =	vld [tilespmem:$0x1C160]  }
0x15c: {  	s1 =	simm.s32 $0x3600;
	v7 =	vld [tilespmem:$0x1C170]  }
0x15d: {  	v8 =	vld [tilespmem:s1+$0xF0]  }
0x15e: {  	v9 =	vld [tilespmem:s1+$0xFFFFFF10]  }
0x15f: {  	v10 =	vld [tilespmem:s1+$0xFFFFFF20]  }
0x160: {  	v11 =	vld [tilespmem:s1+$0xFFFFFF30]  }
0x161: {  	v14 =	vld [tilespmem:s1+$0xFFFFFF60]  }
0x162: {  	v12 =	vld [tilespmem:s1+$0xFFFFFF40]  }
0x163: {  	v13 =	vld [tilespmem:s1+$0xFFFFFF50];
	v8 =	vadd.f32 v8, v7  }
0x164: {  	v16 =	vld [tilespmem:s1+$0xFFFFFF80];
	v9 =	vadd.f32 v9, v5  }
0x165: {  	v15 =	vld [tilespmem:s1+$0xFFFFFF70];
	v10 =	vadd.f32 v10, v6;
	[tilespmem:s1+$0xF0] =	vst v8  }
0x166: {  	v62 =	vld [tilespmem:s1+$0xFFFFFFD0];
	v14 =	vadd.f32 v14, v1;
	[tilespmem:s1+$0xFFFFFF10] =	vst v9  }
0x167: {  	v8 =	vld [tilespmem:s1+$0xFFFFFF90];
	[tilespmem:s1+$0xFFFFFF20] =	vst v10;
	v10 =	vadd.f32 v12, v3  }
0x168: {  	v9 =	vadd.f32 v11, v4;
	[tilespmem:s1+$0xFFFFFF60] =	vst v14;
	v14 =	vld [tilespmem:s1+$0xFFFFFFF0]  }
0x169: {  	v11 =	vld [tilespmem:s1+$0xFFFFFFA0];
	[tilespmem:s1+$0xFFFFFF40] =	vst v10;
	v10 =	vadd.f32 v16, v0  }
0x16a: {  	v12 =	vld [tilespmem:s1+$0xFFFFFFB0];
	[tilespmem:s1+$0xFFFFFF30] =	vst v9;
	v9 =	vadd.f32 v13, v2  }
0x16b: {  	v13 =	vld [tilespmem:s1+$0xFFFFFFC0];
	[tilespmem:s1+$0xFFFFFF80] =	vst v10;
	v10 =	vadd.f32 v15, v7  }
0x16c: {  	[tilespmem:s1+$0xFFFFFF50] =	vst v9;
	v9 =	vld [tilespmem:s1+$0xFFFFFFE0];
	v8 =	vadd.f32 v8, v5  }
0x16d: {  	v15 =	vld [tilespmem:s1+$0x30];
	v14 =	vadd.f32 v14, v7;
	[tilespmem:s1+$0xFFFFFF70] =	vst v10  }
0x16e: {  	v10 =	vadd.f32 v11, v6;
	v11 =	vld [tilespmem:s1+$0x0];
	[tilespmem:s1+$0xFFFFFF90] =	vst v8  }
0x16f: {  	v8 =	vadd.f32 v12, v4;
	v12 =	vld [tilespmem:s1+$0x10];
	[tilespmem:s1+$0xFFFFFFF0] =	vst v14  }
0x170: {  	[tilespmem:s1+$0xFFFFFFA0] =	vst v10;
	v10 =	vadd.f32 v13, v3;
	v13 =	vld [tilespmem:s1+$0x20]  }
0x171: {  	v14 =	vld [tilespmem:s1+$0x80];
	[tilespmem:s1+$0xFFFFFFB0] =	vst v8;
	v8 =	vadd.f32 v62, v2  }
0x172: {  	v9 =	vadd.f32 v9, v1;
	[tilespmem:s1+$0xFFFFFFC0] =	vst v10;
	v10 =	vld [tilespmem:s1+$0x40]  }
0x173: {  	[tilespmem:s1+$0xFFFFFFD0] =	vst v8;
	v8 =	vadd.f32 v11, v0  }
0x174: {  	v11 =	vld [tilespmem:s1+$0x50];
	[tilespmem:s1+$0xFFFFFFE0] =	vst v9;
	v12 =	vadd.f32 v12, v5  }
0x175: {  	v9 =	vld [tilespmem:s1+$0x60];
	[tilespmem:s1+$0x0] =	vst v8;
	v8 =	vadd.f32 v13, v6  }
0x176: {  	v14 =	vadd.f32 v14, v0;
	v13 =	vld [tilespmem:s1+$0x70];
	[tilespmem:s1+$0x10] =	vst v12  }
0x177: {  	v12 =	vadd.f32 v15, v4;
	v15 =	vld [tilespmem:s1+$0x90];
	[tilespmem:s1+$0x20] =	vst v8;
	v8 =	vadd.f32 v10, v3  }
0x178: {  	v63 =	vld [tilespmem:s1+$0xA0];
	[tilespmem:s1+$0x80] =	vst v14  }
0x179: {  	v10 =	vadd.f32 v11, v2;
	[tilespmem:s1+$0x40] =	vst v8;
	v8 =	vld [tilespmem:s1+$0xB0]  }
0x17a: {  	[tilespmem:s1+$0x30] =	vst v12;
	v11 =	vadd.f32 v9, v1;
	v9 =	vld [tilespmem:s1+$0xC0]  }
0x17b: {  	[tilespmem:s1+$0x50] =	vst v10;
	v12 =	vadd.f32 v13, v7;
	v10 =	vld [tilespmem:s1+$0xD0]  }
0x17c: {  	[tilespmem:s1+$0x60] =	vst v11;
	v11 =	vld [tilespmem:s1+$0xE0];
	v13 =	vadd.f32 v15, v5  }
0x17d: {  	s10 =	simm.s32 $0x0;
	s11 =	simm.s32 $0x3800;
	v14 =	vadd.f32 v63, v6;
	[tilespmem:s1+$0x70] =	vst v12;
	v12 =	vld [tilespmem:s1+$0xFFFFFF00]  }
.LBB2_11:
0x17e: {  	v15 =	vld [tilespmem:s11+$0xF0];
	s10 =	sadd.s32 $0x4, s10;
	[tilespmem:s1+$0x90] =	vst v13;
	v8 =	vadd.f32 v8, v4  }
0x17f: {  	v13 =	vld [tilespmem:s11+$0xFFFFFF10];
	p0 =	slt.u32 s10, $0xFC;
	[tilespmem:s1+$0xA0] =	vst v14;
	v9 =	vadd.f32 v9, v3  }
0x180: {  	v14 =	vld [tilespmem:s11+$0xFFFFFF20];
	[tilespmem:s1+$0xB0] =	vst v8;
	v8 =	vadd.f32 v10, v2  }
0x181: {  	v10 =	vld [tilespmem:s11+$0xFFFFFF30];
	[tilespmem:s1+$0xC0] =	vst v9;
	v9 =	vadd.f32 v11, v1  }
0x182: {  	v11 =	vld [tilespmem:s11+$0xFFFFFF40];
	v12 =	vadd.f32 v12, v0;
	[tilespmem:s1+$0xD0] =	vst v8  }
0x183: {  	v8 =	vld [tilespmem:s11+$0xFFFFFF50];
	v15 =	vadd.f32 v15, v7;
	[tilespmem:s1+$0xE0] =	vst v9  }
0x184: {  	v9 =	vadd.f32 v13, v5;
	v13 =	vld [tilespmem:s11+$0xFFFFFF60];
	[tilespmem:s1+$0xFFFFFF00] =	vst v12;
	s1 =	smov.u32 s11  }
0x185: {  	v12 =	vadd.f32 v14, v6;
	v14 =	vld [tilespmem:s11+$0xFFFFFF70];
	[tilespmem:s11+$0xF0] =	vst v15  }
0x186: {  	[tilespmem:s11+$0xFFFFFF10] =	vst v9;
	v9 =	vadd.f32 v10, v4;
	v10 =	vld [tilespmem:s11+$0xFFFFFF80]  }
0x187: {  	[tilespmem:s11+$0xFFFFFF20] =	vst v12;
	v11 =	vadd.f32 v11, v3;
	v12 =	vld [tilespmem:s11+$0xFFFFFF90]  }
0x188: {  	[tilespmem:s11+$0xFFFFFF30] =	vst v9;
	v8 =	vadd.f32 v8, v2;
	v9 =	vld [tilespmem:s11+$0xFFFFFFA0]  }
0x189: {  	[tilespmem:s11+$0xFFFFFF40] =	vst v11;
	v11 =	vadd.f32 v13, v1;
	v13 =	vld [tilespmem:s11+$0xFFFFFFB0]  }
0x18a: {  	[tilespmem:s11+$0xFFFFFF50] =	vst v8;
	v8 =	vadd.f32 v14, v7;
	v14 =	vld [tilespmem:s11+$0xFFFFFFC0]  }
0x18b: {  	[tilespmem:s11+$0xFFFFFF60] =	vst v11;
	v10 =	vadd.f32 v10, v0;
	v11 =	vld [tilespmem:s11+$0xFFFFFFD0]  }
0x18c: {  	[tilespmem:s11+$0xFFFFFF70] =	vst v8;
	v8 =	vadd.f32 v12, v5;
	v12 =	vld [tilespmem:s11+$0xFFFFFFE0]  }
0x18d: {  	[tilespmem:s11+$0xFFFFFF80] =	vst v10;
	v9 =	vadd.f32 v9, v6;
	v10 =	vld [tilespmem:s11+$0xFFFFFFF0]  }
0x18e: {  	[tilespmem:s11+$0xFFFFFF90] =	vst v8;
	v8 =	vadd.f32 v13, v4;
	v13 =	vld [tilespmem:s11+$0x0]  }
0x18f: {  	[tilespmem:s11+$0xFFFFFFA0] =	vst v9;
	v9 =	vadd.f32 v14, v3;
	v14 =	vld [tilespmem:s11+$0x10]  }
0x190: {  	[tilespmem:s11+$0xFFFFFFB0] =	vst v8;
	v8 =	vadd.f32 v11, v2;
	v11 =	vld [tilespmem:s11+$0x20]  }
0x191: {  	[tilespmem:s11+$0xFFFFFFC0] =	vst v9;
	v9 =	vadd.f32 v12, v1;
	v12 =	vld [tilespmem:s11+$0x30]  }
0x192: {  	[tilespmem:s11+$0xFFFFFFD0] =	vst v8;
	v8 =	vadd.f32 v10, v7;
	v10 =	vld [tilespmem:s11+$0x40]  }
0x193: {  	[tilespmem:s11+$0xFFFFFFE0] =	vst v9;
	v9 =	vadd.f32 v13, v0;
	v13 =	vld [tilespmem:s11+$0x50]  }
0x194: {  	[tilespmem:s11+$0xFFFFFFF0] =	vst v8;
	v8 =	vadd.f32 v14, v5;
	v14 =	vld [tilespmem:s11+$0x60]  }
0x195: {  	[tilespmem:s11+$0x0] =	vst v9;
	v9 =	vadd.f32 v11, v6;
	v11 =	vld [tilespmem:s11+$0x70]  }
0x196: {  	[tilespmem:s11+$0x10] =	vst v8;
	v8 =	vadd.f32 v12, v4;
	v12 =	vld [tilespmem:s11+$0x80]  }
0x197: {  	[tilespmem:s11+$0x20] =	vst v9;
	v9 =	vadd.f32 v10, v3;
	v15 =	vld [tilespmem:s11+$0x90]  }
0x198: {  	[tilespmem:s11+$0x30] =	vst v8;
	v10 =	vadd.f32 v13, v2;
	v16 =	vld [tilespmem:s11+$0xA0]  }
.Ltmp5:
0x199: {  	[tilespmem:s11+$0x40] =	vst v9;
	v13 =	vadd.f32 v14, v1;
	v8 =	vld [tilespmem:s11+$0xB0];
	(pc) =	sbr.rel @p0 .LBB2_11-.Ltmp5, $4  }
0x19a: {  	[tilespmem:s11+$0x50] =	vst v10;
	v11 =	vadd.f32 v11, v7;
	v9 =	vld [tilespmem:s11+$0xC0]  }
0x19b: {  	[tilespmem:s11+$0x60] =	vst v13;
	v14 =	vadd.f32 v12, v0;
	v10 =	vld [tilespmem:s11+$0xD0]  }
0x19c: {  	[tilespmem:s11+$0x70] =	vst v11;
	v13 =	vadd.f32 v15, v5;
	v11 =	vld [tilespmem:s11+$0xE0]  }
0x19d: {  	s11 =	sadd.s32 $0x200, s11;
	v12 =	vld [tilespmem:s1+$0xFFFFFF00];
	[tilespmem:s1+$0x80] =	vst v14;
	v14 =	vadd.f32 v16, v6  }
0x19e: {  	[tilespmem:s1+$0x90] =	vst v13;
	v4 =	vadd.f32 v8, v4  }
0x19f: {  	[tilespmem:s1+$0xA0] =	vst v14;
	v3 =	vadd.f32 v9, v3  }
0x1a0: {  	[tilespmem:s1+$0xB0] =	vst v4;
	v2 =	vadd.f32 v10, v2  }
0x1a1: {  	[tilespmem:s1+$0xC0] =	vst v3;
	v1 =	vadd.f32 v11, v1  }
0x1a2: {  	v0 =	vadd.f32 v12, v0;
	[tilespmem:s1+$0xD0] =	vst v2  }
0x1a3: {  	[tilespmem:s1+$0xE0] =	vst v1  }
0x1a4: {  	[tilespmem:s1+$0xFFFFFF00] =	vst v0  }
0x1a5: {  	[hbm4b:s3+s12] =	stream.indirect.scatter [tilespmem:s13], [sflag:$0x4], $0x80, s28, s12, $0xb8;
	[tilespmem:$0x1C500] =	vst v63  }
0x1a6: {  	_ = 	snop  }
0x1a7: {  	[hbm4b:s3+s12] =	stream.indirect.scatter [tilespmem:s14], [sflag:$0x4], $0x80, s29, s12, $0xb8;
	[tilespmem:$0x1C500] =	vst v63  }
0x1a8: {  	_ =	swait.ge [sflag:s30], $0x4000  }
0x1a9: {  	[sflag:s30] =	ssyncset.done $0x0  }
0x1aa: {  	[sflag:s30] =	ssyncadd.s32 $0xFFFFC000  }
0x1ab: {  	_ =	swait.ge [sflag:s30], $0x4000  }
0x1ac: {  	[sflag:s30] =	ssyncset.done $0x0  }
0x1ad: {  	[sflag:s30] =	ssyncadd.s32 $0xFFFFC000  }
0x1ae: {  	_ =	swait.ge [sflag:s31], $0x4000  }
0x1af: {  	[sflag:s31] =	ssyncset.done $0x0  }
0x1b0: {  	[sflag:s31] =	ssyncadd.s32 $0xFFFFC000  }
0x1b1: {  	_ =	swait.ge [sflag:s31], $0x4000  }
0x1b2: {  	[sflag:s31] =	ssyncset.done $0x0  }
0x1b3: {  	s0 =	sadd.s32 $0x1, s0;
	[sflag:s31] =	ssyncadd.s32 $0xFFFFC000  }
0x1b4: {  	p0 =	sne.s32 s0, s8;
	_ =	swait.ge [sflag:s25], $0x4000  }
.Ltmp6:
0x1b5: {  	[sflag:s25] =	ssyncset.done $0x0;
	(pc) =	sbr.rel @p0 .LBB2_1-.Ltmp6, $4  }
0x1b6: {  	[sflag:s25] =	ssyncadd.s32 $0xFFFFC000  }
0x1b7: {  	_ =	swait.ge [sflag:s25], $0x4000  }
0x1b8: {  	[sflag:s25] =	ssyncset.done $0x0  }
0x1b9: {  	[sflag:s25] =	ssyncadd.s32 $0xFFFFC000  }
0x1ba: {  	_ =	sfence.sel $0x180000  }
0x1bb: {  	[bflag:$0x0] =	sbarrier.arrive $0xFFFF  }
0x1bc: {  	_ =	strace $0x90000047  }
0x1bd: {  	s0 =	stileid.u32;
	[bflag:$0x2] =	sbarrier.arrive $0xFFFF  }
0x1be: {  	p0 =	sne.s32 s0, $0x0;
	s0 =	rddreg [dreg:$0x3]  }
0x1bf: {  	s0 =	sadd.s32 @!p0 $0x100000, s0  }
0x1c0: {  	[sflag:s0] =	ssyncadd.tile.s32 @!p0 $0x1;
	_ =	shalt  }
.Lfunc_end2:
_tile_overlayer_lowered:
.L_overlay_start_2:
0x1c1: {  	(tag) =	ssettag $0x2  }
0x1c2: {  	s0 =	rddreg [dreg:$0x0];
	s2 =	stileid.u32  }
0x1c3: {  	s1 =	rddreg [dreg:$0x1];
	p0 =	sne.s32 s2, $0x0  }
0x1c4: {  	s3 =	rddreg [dreg:$0x2];
	[bflag:$0x3] =	sbarrier.arrive $0xFFFF;
	s2 =	simm.s32 @!p0 $0x1C07  }
0x1c5: {  	[timem:s3], [sflag:s2] =	dma.local @!p0 [hbm:s0], s1  }
0x1c6: {  	s0 =	simm.s32 @!p0 $0x7  }
0x1c7: {  	_ =	swait.ge @!p0 [sflag:s0], s1  }
0x1c8: {  	s1 =	ssub.s32 @!p0 $0x0, s1;
	[sflag:s0] =	ssyncset.done @!p0 $0x0  }
0x1c9: {  	[sflag:s0] =	ssyncadd.s32 @!p0 s1  }
0x1ca: {  	[bflag:$0x3] =	sbarrier.arrive $0xFFFF  }
0x1cb: {  	_ =	shalt  }

</sc_bundles>
